<compile_context>
chip_gen: v7x
topology: tpu7x:2x2x1
jax: 0.10.2.dev20260603
libtpu: 0.0.44.dev20260713+nightly
codegen_flags: <defaults>
</compile_context>

<pallas_src>
import functools

import jax
import jax.numpy as jnp
from jax import lax
from jax.experimental import pallas as pl
from jax.experimental.pallas import tpu as pltpu
from jax.experimental.pallas import tpu_sc as plsc

_K = 8
_G = 32


def _screen_body(x_ref, ids_ref, accv_ref, acci_ref, *, n_sb):
    sb = pl.program_id(1)

    @pl.when(sb == 0)
    def _():
        accv_ref[...] = jnp.full(accv_ref.shape, -jnp.inf, accv_ref.dtype)
        acci_ref[...] = jnp.zeros(acci_ref.shape, acci_ref.dtype)

    x = x_ref[0]
    r = x.shape[0]
    n_ch = r // _G
    cm = x
    while cm.shape[0] > n_ch:
        h = cm.shape[0] // 2
        cm = jnp.maximum(cm[:h], cm[h:])
    ci = sb * n_ch + jax.lax.broadcasted_iota(jnp.int32, cm.shape, 0)

    pv = jnp.concatenate([accv_ref[...], cm], axis=0)
    pi = jnp.concatenate([acci_ref[...], ci], axis=0)
    n = pv.shape[0]
    rows = jax.lax.broadcasted_iota(jnp.int32, pv.shape, 0)
    vs, ks = [], []
    for _ in range(_K):
        m = jnp.max(pv, axis=0)
        pos = jnp.min(jnp.where(pv == m[None, :], rows, n), axis=0)
        sel = rows == pos[None, :]
        vs.append(m)
        ks.append(jnp.max(jnp.where(sel, pi, -1), axis=0))
        pv = jnp.where(sel, -jnp.inf, pv)
    accv_ref[...] = jnp.stack(vs, axis=0)
    acci_ref[...] = jnp.stack(ks, axis=0)

    @pl.when(sb == n_sb - 1)
    def _():
        ids_ref[0] = acci_ref[...].T


def _screen_tc(x, s_blk=4096):
    b, s, c = x.shape
    n_sb = s // s_blk
    return pl.pallas_call(
        functools.partial(_screen_body, n_sb=n_sb),
        grid=(b, n_sb),
        in_specs=[pl.BlockSpec((1, s_blk, c), lambda i, j: (i, j, 0))],
        out_specs=pl.BlockSpec((1, c, _K), lambda i, j: (i, 0, 0)),
        out_shape=jax.ShapeDtypeStruct((b, c, _K), jnp.int32),
        scratch_shapes=[
            pltpu.VMEM((_K, c), x.dtype),
            pltpu.VMEM((_K, c), jnp.int32),
        ],
    )(x)


def _select_sc(flat, ids_flat, b, s, c, s_blk):
    info = plsc.get_sparse_core_info()
    nw = info.num_cores * info.num_subcores
    n_q = b * c
    per_w = n_q // nw
    n_cand = _K * _G
    blk_ch = s_blk // _G
    mesh = plsc.VectorSubcoreMesh(core_axis_name="core", subcore_axis_name="sub")

    @functools.partial(
        pl.kernel,
        out_type=jax.ShapeDtypeStruct((n_q, 16), jnp.float32),
        mesh=mesh,
        scratch_types=[
            pltpu.VMEM((per_w * _K + 8,), jnp.int32),
            pltpu.VMEM((per_w * n_cand,), jnp.int32),
            pltpu.VMEM((per_w * n_cand,), jnp.float32),
            pltpu.VMEM((per_w, 16), jnp.float32),
            pltpu.SemaphoreType.DMA,
        ],
        compiler_params=pltpu.CompilerParams(needs_layout_passes=False),
    )
    def sel(flat_hbm, ids_hbm, out_hbm, ids_v, idx_v, vals_v, res_v, sem):
        wid = lax.axis_index("sub") * info.num_cores + lax.axis_index("core")
        base_q = wid * per_w
        pltpu.sync_copy(
            ids_hbm.at[pl.ds(base_q * _K, per_w * _K)],
            ids_v.at[pl.ds(0, per_w * _K)],
        )

        def build(ch, carry):
            q = base_q + ch
            col_base = (q // c) * (s * c) + (q % c)
            ids_vec = ids_v[pl.ds(ch * _K, 16)]
            for v in range(n_cand // 16):
                slot = v // (_G // 16)
                cid = jnp.full((16,), ids_vec[slot], jnp.int32)
                off = (v % (_G // 16)) * 16 + lax.iota(jnp.int32, 16)
                seq = (cid // blk_ch) * s_blk + (cid % blk_ch) + blk_ch * off
                idx_v[pl.ds(ch * n_cand + v * 16, 16)] = col_base + seq * c
            return carry

        lax.fori_loop(0, per_w, build, 0)

        def fire(ch, carry):
            for h in range(n_cand // 128):
                o = ch * n_cand + h * 128
                pltpu.async_copy(
                    flat_hbm.at[idx_v.at[pl.ds(o, 128)]],
                    vals_v.at[pl.ds(o, 128)],
                    sem,
                )
            return carry

        lax.fori_loop(0, per_w, fire, 0)
        pltpu.make_async_copy(
            flat_hbm.at[pl.ds(0, per_w * n_cand)], vals_v, sem
        ).wait()

        def topk(ch, carry):
            base = ch * n_cand
            nodes = []
            for v in range(n_cand // 16):
                vec = vals_v[pl.ds(base + v * 16, 16)]
                nodes.append(
                    plsc.sort_key_val(vec, vec, descending=(v % 2 == 0))[0]
                )
            lvl = 0
            while len(nodes) > 1:
                nxt = []
                for j in range(len(nodes) // 2):
                    m = jnp.maximum(nodes[2 * j], nodes[2 * j + 1])
                    nxt.append(
                        plsc.sort_key_val(m, m, descending=(j % 2 == 0))[0]
                    )
                nodes = nxt
            res_v[ch, :] = nodes[0]
            return carry

        lax.fori_loop(0, per_w, topk, 0)
        pltpu.sync_copy(res_v, out_hbm.at[pl.ds(base_q, per_w)])

    return sel(flat, ids_flat)


def kernel(inputs):
    b, s, c = inputs.shape
    s_blk = 4096
    ids = _screen_tc(inputs, s_blk=s_blk)
    rows = _select_sc(
        jnp.zeros((b * s * c,), jnp.float32), ids.reshape(b * c * _K), b, s, c, s_blk
    )
    return rows[:, :_K].reshape(b, c * _K)

# --- scband reference (transcript-rebuilt; emitter-appended) ---
"""Pipeline reference for scband-kmax-pooling-14250701488403 (READ-ONLY COPY).

The authoritative reference and input builder live on the scoring server;
editing this copy changes nothing except your own understanding.
"""

import jax, jax.numpy as jnp
import numpy as np

K = 8

def setup_inputs(seed: int = 0) -> dict:
    key = jax.random.key(seed)
    inputs = jax.random.normal(key, (4, 8192, 768), dtype=jnp.float32)
    return {"inputs": inputs}

def reference(inputs):
    # KMaxPooling.call: transpose to [B, C, S], top_k over last dim, flatten
    shifted = jnp.transpose(inputs, (0, 2, 1))          # [B, C, S]
    top_k_vals = jax.lax.top_k(shifted, K)[0]            # [B, C, k], sorted descending
    out = top_k_vals.reshape(top_k_vals.shape[0], -1)    # [B, C*k]
    return out

if __name__ == "__main__":
    import jax
    _d = setup_inputs()
    print(jax.jit(kernel)(*tuple(_d.values())))

</pallas_src>

<mosaic_0001>
#map = affine_map<(d0, d1) -> (0)>
#map1 = affine_map<(d0, d1) -> (0, 0)>
module attributes {stable_mosaic.version = 14 : i64} {
  func.func @sel(%arg0: i32, %arg1: i32, %arg2: memref<25165824xf32, #tpu.memory_space<hbm>>, %arg3: memref<24576xi32, #tpu.memory_space<hbm>>, %arg4: memref<3072x16xf32, #tpu.memory_space<hbm>>, %arg5: memref<776xi32, #tpu.memory_space<vmem>>, %arg6: memref<24576xi32, #tpu.memory_space<vmem>>, %arg7: memref<24576xf32, #tpu.memory_space<vmem>>, %arg8: memref<96x16xf32, #tpu.memory_space<vmem>>, %arg9: memref<!tpu.dma_semaphore, #tpu.memory_space<semaphore_mem>>) attributes {dimension_semantics = [#tpu.dimension_semantics<core_parallel>, #tpu.dimension_semantics<subcore_parallel>], iteration_bounds = array<i64: 2, 16>, scalar_prefetch = 0 : i64, scratch_operands = 5 : i64, tpu.core_type = #tpu.core_type<sc_vector_subcore>, window_params = [{transform_indices = #map}, {transform_indices = #map}, {transform_indices = #map1}]} {
    %mul3A = arith.constant 2 : i32
    %mul3A_0 = arith.muli %arg1, %mul3A : i32
    %add3A = arith.addi %mul3A_0, %arg0 : i32
    %mul3A_1 = arith.constant 96 : i32
    %mul3A_2 = arith.muli %add3A, %mul3A_1 : i32
    %mul3A_3 = arith.constant 8 : i32
    %mul3A_4 = arith.muli %mul3A_2, %mul3A_3 : i32
    "tpu.region"() ({
      %run_scoped3A = tpu.sem_alloc : memref<!tpu.dma_semaphore, #tpu.memory_space<semaphore_mem>>
      %dma_start3A = arith.constant 0 : i32
      %dma_start3A_25 = tpu.memref_slice %arg5[%dma_start3A] : memref<776xi32, #tpu.memory_space<vmem>> -> memref<768xi32, #tpu.memory_space<vmem>>
      %dma_start3A_26 = tpu.memref_slice %arg3[%mul3A_4] : memref<24576xi32, #tpu.memory_space<hbm>> -> memref<768xi32, #tpu.memory_space<hbm>>
      %dma_start3A_27 = arith.constant 0 : i32
      %dma_start3A_28 = tpu.memref_slice %arg5[%dma_start3A_27] : memref<776xi32, #tpu.memory_space<vmem>> -> memref<768xi32, #tpu.memory_space<vmem>>
      %dma_start3A_29 = tpu.memref_slice %arg3[%mul3A_4] : memref<24576xi32, #tpu.memory_space<hbm>> -> memref<768xi32, #tpu.memory_space<hbm>>
      tpu.enqueue_dma source(%dma_start3A_29 : memref<768xi32, #tpu.memory_space<hbm>>) target(%dma_start3A_28 : memref<768xi32, #tpu.memory_space<vmem>>) target_semaphore(%run_scoped3A : memref<!tpu.dma_semaphore, #tpu.memory_space<semaphore_mem>>)
      %dma_wait3A_30 = arith.constant 0 : i32
      %dma_wait3A_31 = tpu.memref_slice %arg5[%dma_wait3A_30] : memref<776xi32, #tpu.memory_space<vmem>> -> memref<768xi32, #tpu.memory_space<vmem>>
      %dma_wait3A_32 = tpu.memref_slice %arg3[%mul3A_4] : memref<24576xi32, #tpu.memory_space<hbm>> -> memref<768xi32, #tpu.memory_space<hbm>>
      %dma_wait3A_33 = arith.constant 0 : i32
      %dma_wait3A_34 = tpu.memref_slice %arg5[%dma_wait3A_33] : memref<776xi32, #tpu.memory_space<vmem>> -> memref<768xi32, #tpu.memory_space<vmem>>
      %dma_wait3A_35 = tpu.memref_slice %arg3[%mul3A_4] : memref<24576xi32, #tpu.memory_space<hbm>> -> memref<768xi32, #tpu.memory_space<hbm>>
      tpu.wait_dma2 semaphore(%run_scoped3A : memref<!tpu.dma_semaphore, #tpu.memory_space<semaphore_mem>>) src(%dma_wait3A_35 : memref<768xi32, #tpu.memory_space<hbm>>) dst(%dma_wait3A_34 : memref<768xi32, #tpu.memory_space<vmem>>)
      tpu.yield
    }) : () -> ()
    %scan3A = arith.constant 0 : i32
    %scan3A_5 = arith.constant 0 : i32
    %scan3A_6 = arith.constant 96 : i32
    %scan3A_7 = arith.addi %scan3A_5, %scan3A_6 : i32
    %scan3A_8 = arith.constant 1 : i32
    scf.for %scan3A_25 = %scan3A_5 to %scan3A_7 step %scan3A_8  : i32 {
      %add3A_26 = arith.addi %mul3A_2, %scan3A_25 : i32
      %jit3A = arith.constant 768 : i32
      %div3A = arith.divsi %add3A_26, %jit3A : i32
      %sign3A = arith.constant 0 : i32
      %sign3A_27 = arith.cmpi sgt, %add3A_26, %sign3A : i32
      %sign3A_28 = arith.extui %sign3A_27 : i1 to i32
      %sign3A_29 = arith.constant 0 : i32
      %sign3A_30 = arith.cmpi slt, %add3A_26, %sign3A_29 : i32
      %sign3A_31 = arith.extui %sign3A_30 : i1 to i32
      %sign3A_32 = arith.subi %sign3A_28, %sign3A_31 : i32
      %sign3A_33 = arith.constant 0 : i32
      %sign3A_34 = arith.cmpi sgt, %jit3A, %sign3A_33 : i32
      %sign3A_35 = arith.extui %sign3A_34 : i1 to i32
      %sign3A_36 = arith.constant 0 : i32
      %sign3A_37 = arith.cmpi slt, %jit3A, %sign3A_36 : i32
      %sign3A_38 = arith.extui %sign3A_37 : i1 to i32
      %sign3A_39 = arith.subi %sign3A_35, %sign3A_38 : i32
      %ne3A = arith.cmpi ne, %sign3A_32, %sign3A_39 : i32
      %rem3A = arith.remsi %add3A_26, %jit3A : i32
      %ne3A_40 = arith.constant 0 : i32
      %ne3A_41 = arith.cmpi ne, %rem3A, %ne3A_40 : i32
      %and3A = arith.andi %ne3A, %ne3A_41 : i1
      %sub3A = arith.constant 1 : i32
      %sub3A_42 = arith.subi %div3A, %sub3A : i32
      %select_n3A = arith.select %and3A, %sub3A_42, %div3A : i32
      %mul3A_43 = arith.constant 6291456 : i32
      %mul3A_44 = arith.muli %select_n3A, %mul3A_43 : i32
      %jit3A_45 = arith.constant 768 : i32
      %eq3A = arith.constant 0 : i32
      %eq3A_46 = arith.cmpi eq, %jit3A_45, %eq3A : i32
      %jit3A_47 = arith.constant 1 : i32
      %select_n3A_48 = arith.select %eq3A_46, %jit3A_47, %jit3A_45 : i32
      %rem3A_49 = arith.remsi %add3A_26, %select_n3A_48 : i32
      %ne3A_50 = arith.constant 0 : i32
      %ne3A_51 = arith.cmpi ne, %rem3A_49, %ne3A_50 : i32
      %lt3A = arith.constant 0 : i32
      %lt3A_52 = arith.cmpi slt, %rem3A_49, %lt3A : i32
      %lt3A_53 = arith.constant 0 : i32
      %lt3A_54 = arith.cmpi slt, %select_n3A_48, %lt3A_53 : i32
      %ne3A_55 = arith.xori %lt3A_52, %lt3A_54 : i1
      %and3A_56 = arith.andi %ne3A_55, %ne3A_51 : i1
      %add3A_57 = arith.addi %rem3A_49, %select_n3A_48 : i32
      %select_n3A_58 = arith.select %and3A_56, %add3A_57, %rem3A_49 : i32
      %add3A_59 = arith.addi %mul3A_44, %select_n3A_58 : i32
      %mul3A_60 = arith.constant 8 : i32
      %mul3A_61 = arith.muli %scan3A_25, %mul3A_60 : i32
      %get3A = arith.index_cast %mul3A_61 : i32 to index
      %get3A_62 = tpu.vector_load %arg5[%get3A] {strides = array<i32>} : memref<776xi32, #tpu.memory_space<vmem>>, vector<16xi32>,
      %slice3A = vector.extract_strided_slice %get3A_62 {offsets = [0], sizes = [1], strides = [1]} : vector<16xi32> to vector<1xi32>
      %squeeze3A = vector.extract %slice3A[0] : i32 from vector<1xi32>
      %broadcast_in_dim3A = vector.broadcast %squeeze3A : i32 to vector<16xi32>
      %iota3A = tpu.iota {dimensions = array<i32: 0>} : vector<16xi32>
      %add3A_63 = arith.constant 0 : i32
      %add3A_64 = vector.broadcast %add3A_63 : i32 to vector<16xi32>
      %add3A_65 = arith.addi %add3A_64, %iota3A : vector<16xi32>
      %jit3A_66 = arith.constant 128 : i32
      %div3A_67 = vector.broadcast %jit3A_66 : i32 to vector<16xi32>
      %div3A_68 = arith.divsi %broadcast_in_dim3A, %div3A_67 : vector<16xi32>
      %sign3A_69 = arith.constant 0 : i32
      %sign3A_70 = vector.broadcast %sign3A_69 : i32 to vector<16xi32>
      %sign3A_71 = arith.cmpi sgt, %broadcast_in_dim3A, %sign3A_70 : vector<16xi32>
      %sign3A_72 = arith.extui %sign3A_71 : vector<16xi1> to vector<16xi32>
      %sign3A_73 = arith.constant 0 : i32
      %sign3A_74 = vector.broadcast %sign3A_73 : i32 to vector<16xi32>
      %sign3A_75 = arith.cmpi slt, %broadcast_in_dim3A, %sign3A_74 : vector<16xi32>
      %sign3A_76 = arith.extui %sign3A_75 : vector<16xi1> to vector<16xi32>
      %sign3A_77 = arith.subi %sign3A_72, %sign3A_76 : vector<16xi32>
      %sign3A_78 = arith.constant 0 : i32
      %sign3A_79 = arith.cmpi sgt, %jit3A_66, %sign3A_78 : i32
      %sign3A_80 = arith.extui %sign3A_79 : i1 to i32
      %sign3A_81 = arith.constant 0 : i32
      %sign3A_82 = arith.cmpi slt, %jit3A_66, %sign3A_81 : i32
      %sign3A_83 = arith.extui %sign3A_82 : i1 to i32
      %sign3A_84 = arith.subi %sign3A_80, %sign3A_83 : i32
      %ne3A_85 = vector.broadcast %sign3A_84 : i32 to vector<16xi32>
      %ne3A_86 = arith.cmpi ne, %sign3A_77, %ne3A_85 : vector<16xi32>
      %rem3A_87 = vector.broadcast %jit3A_66 : i32 to vector<16xi32>
      %rem3A_88 = arith.remsi %broadcast_in_dim3A, %rem3A_87 : vector<16xi32>
      %ne3A_89 = arith.constant 0 : i32
      %ne3A_90 = vector.broadcast %ne3A_89 : i32 to vector<16xi32>
      %ne3A_91 = arith.cmpi ne, %rem3A_88, %ne3A_90 : vector<16xi32>
      %and3A_92 = arith.andi %ne3A_86, %ne3A_91 : vector<16xi1>
      %sub3A_93 = arith.constant 1 : i32
      %sub3A_94 = vector.broadcast %sub3A_93 : i32 to vector<16xi32>
      %sub3A_95 = arith.subi %div3A_68, %sub3A_94 : vector<16xi32>
      %select_n3A_96 = arith.select %and3A_92, %sub3A_95, %div3A_68 : vector<16xi1>, vector<16xi32>
      %mul3A_97 = arith.constant 4096 : i32
      %mul3A_98 = vector.broadcast %mul3A_97 : i32 to vector<16xi32>
      %mul3A_99 = arith.muli %select_n3A_96, %mul3A_98 : vector<16xi32>
      %jit3A_100 = arith.constant 128 : i32
      %eq3A_101 = arith.constant 0 : i32
      %eq3A_102 = arith.cmpi eq, %jit3A_100, %eq3A_101 : i32
      %jit3A_103 = arith.constant 1 : i32
      %select_n3A_104 = arith.select %eq3A_102, %jit3A_103, %jit3A_100 : i32
      %rem3A_105 = vector.broadcast %select_n3A_104 : i32 to vector<16xi32>
      %rem3A_106 = arith.remsi %broadcast_in_dim3A, %rem3A_105 : vector<16xi32>
      %ne3A_107 = arith.constant 0 : i32
      %ne3A_108 = vector.broadcast %ne3A_107 : i32 to vector<16xi32>
      %ne3A_109 = arith.cmpi ne, %rem3A_106, %ne3A_108 : vector<16xi32>
      %lt3A_110 = arith.constant 0 : i32
      %lt3A_111 = vector.broadcast %lt3A_110 : i32 to vector<16xi32>
      %lt3A_112 = arith.cmpi slt, %rem3A_106, %lt3A_111 : vector<16xi32>
      %lt3A_113 = arith.constant 0 : i32
      %lt3A_114 = arith.cmpi slt, %select_n3A_104, %lt3A_113 : i32
      %ne3A_115 = vector.broadcast %lt3A_114 : i1 to vector<16xi1>
      %ne3A_116 = vector.broadcast %ne3A_115 : vector<16xi1> to vector<16xi1>
      %ne3A_117 = arith.xori %lt3A_112, %ne3A_116 : vector<16xi1>
      %and3A_118 = arith.andi %ne3A_117, %ne3A_109 : vector<16xi1>
      %add3A_119 = vector.broadcast %select_n3A_104 : i32 to vector<16xi32>
      %add3A_120 = arith.addi %rem3A_106, %add3A_119 : vector<16xi32>
      %select_n3A_121 = arith.select %and3A_118, %add3A_120, %rem3A_106 : vector<16xi1>, vector<16xi32>
      %add3A_122 = arith.addi %mul3A_99, %select_n3A_121 : vector<16xi32>
      %mul3A_123 = arith.constant 128 : i32
      %mul3A_124 = vector.broadcast %mul3A_123 : i32 to vector<16xi32>
      %mul3A_125 = arith.muli %mul3A_124, %add3A_65 : vector<16xi32>
      %add3A_126 = arith.addi %add3A_122, %mul3A_125 : vector<16xi32>
      %mul3A_127 = arith.constant 768 : i32
      %mul3A_128 = vector.broadcast %mul3A_127 : i32 to vector<16xi32>
      %mul3A_129 = arith.muli %add3A_126, %mul3A_128 : vector<16xi32>
      %add3A_130 = vector.broadcast %add3A_59 : i32 to vector<16xi32>
      %add3A_131 = arith.addi %add3A_130, %mul3A_129 : vector<16xi32>
      %mul3A_132 = arith.constant 256 : i32
      %mul3A_133 = arith.muli %scan3A_25, %mul3A_132 : i32
      %add3A_134 = arith.constant 0 : i32
      %add3A_135 = arith.addi %mul3A_133, %add3A_134 : i32
      %swap3A = arith.index_cast %add3A_135 : i32 to index
      %swap3A_136 = tpu.vector_load %arg6[%swap3A] {strides = array<i32>} : memref<24576xi32, #tpu.memory_space<vmem>>, vector<16xi32>,
      tpu.vector_store %arg6[%swap3A], %add3A_131 {strides = array<i32>} : memref<24576xi32, #tpu.memory_space<vmem>>, vector<16xi32>,
      %slice3A_137 = vector.extract_strided_slice %get3A_62 {offsets = [0], sizes = [1], strides = [1]} : vector<16xi32> to vector<1xi32>
      %squeeze3A_138 = vector.extract %slice3A_137[0] : i32 from vector<1xi32>
      %broadcast_in_dim3A_139 = vector.broadcast %squeeze3A_138 : i32 to vector<16xi32>
      %iota3A_140 = tpu.iota {dimensions = array<i32: 0>} : vector<16xi32>
      %add3A_141 = arith.constant 16 : i32
      %add3A_142 = vector.broadcast %add3A_141 : i32 to vector<16xi32>
      %add3A_143 = arith.addi %add3A_142, %iota3A_140 : vector<16xi32>
      %jit3A_144 = arith.constant 128 : i32
      %div3A_145 = vector.broadcast %jit3A_144 : i32 to vector<16xi32>
      %div3A_146 = arith.divsi %broadcast_in_dim3A_139, %div3A_145 : vector<16xi32>
      %sign3A_147 = arith.constant 0 : i32
      %sign3A_148 = vector.broadcast %sign3A_147 : i32 to vector<16xi32>
      %sign3A_149 = arith.cmpi sgt, %broadcast_in_dim3A_139, %sign3A_148 : vector<16xi32>
      %sign3A_150 = arith.extui %sign3A_149 : vector<16xi1> to vector<16xi32>
      %sign3A_151 = arith.constant 0 : i32
      %sign3A_152 = vector.broadcast %sign3A_151 : i32 to vector<16xi32>
      %sign3A_153 = arith.cmpi slt, %broadcast_in_dim3A_139, %sign3A_152 : vector<16xi32>
      %sign3A_154 = arith.extui %sign3A_153 : vector<16xi1> to vector<16xi32>
      %sign3A_155 = arith.subi %sign3A_150, %sign3A_154 : vector<16xi32>
      %sign3A_156 = arith.constant 0 : i32
      %sign3A_157 = arith.cmpi sgt, %jit3A_144, %sign3A_156 : i32
      %sign3A_158 = arith.extui %sign3A_157 : i1 to i32
      %sign3A_159 = arith.constant 0 : i32
      %sign3A_160 = arith.cmpi slt, %jit3A_144, %sign3A_159 : i32
      %sign3A_161 = arith.extui %sign3A_160 : i1 to i32
      %sign3A_162 = arith.subi %sign3A_158, %sign3A_161 : i32
      %ne3A_163 = vector.broadcast %sign3A_162 : i32 to vector<16xi32>
      %ne3A_164 = arith.cmpi ne, %sign3A_155, %ne3A_163 : vector<16xi32>
      %rem3A_165 = vector.broadcast %jit3A_144 : i32 to vector<16xi32>
      %rem3A_166 = arith.remsi %broadcast_in_dim3A_139, %rem3A_165 : vector<16xi32>
      %ne3A_167 = arith.constant 0 : i32
      %ne3A_168 = vector.broadcast %ne3A_167 : i32 to vector<16xi32>
      %ne3A_169 = arith.cmpi ne, %rem3A_166, %ne3A_168 : vector<16xi32>
      %and3A_170 = arith.andi %ne3A_164, %ne3A_169 : vector<16xi1>
      %sub3A_171 = arith.constant 1 : i32
      %sub3A_172 = vector.broadcast %sub3A_171 : i32 to vector<16xi32>
      %sub3A_173 = arith.subi %div3A_146, %sub3A_172 : vector<16xi32>
      %select_n3A_174 = arith.select %and3A_170, %sub3A_173, %div3A_146 : vector<16xi1>, vector<16xi32>
      %mul3A_175 = arith.constant 4096 : i32
      %mul3A_176 = vector.broadcast %mul3A_175 : i32 to vector<16xi32>
      %mul3A_177 = arith.muli %select_n3A_174, %mul3A_176 : vector<16xi32>
      %jit3A_178 = arith.constant 128 : i32
      %eq3A_179 = arith.constant 0 : i32
      %eq3A_180 = arith.cmpi eq, %jit3A_178, %eq3A_179 : i32
      %jit3A_181 = arith.constant 1 : i32
      %select_n3A_182 = arith.select %eq3A_180, %jit3A_181, %jit3A_178 : i32
      %rem3A_183 = vector.broadcast %select_n3A_182 : i32 to vector<16xi32>
      %rem3A_184 = arith.remsi %broadcast_in_dim3A_139, %rem3A_183 : vector<16xi32>
      %ne3A_185 = arith.constant 0 : i32
      %ne3A_186 = vector.broadcast %ne3A_185 : i32 to vector<16xi32>
      %ne3A_187 = arith.cmpi ne, %rem3A_184, %ne3A_186 : vector<16xi32>
      %lt3A_188 = arith.constant 0 : i32
      %lt3A_189 = vector.broadcast %lt3A_188 : i32 to vector<16xi32>
      %lt3A_190 = arith.cmpi slt, %rem3A_184, %lt3A_189 : vector<16xi32>
      %lt3A_191 = arith.constant 0 : i32
      %lt3A_192 = arith.cmpi slt, %select_n3A_182, %lt3A_191 : i32
      %ne3A_193 = vector.broadcast %lt3A_192 : i1 to vector<16xi1>
      %ne3A_194 = vector.broadcast %ne3A_193 : vector<16xi1> to vector<16xi1>
      %ne3A_195 = arith.xori %lt3A_190, %ne3A_194 : vector<16xi1>
      %and3A_196 = arith.andi %ne3A_195, %ne3A_187 : vector<16xi1>
      %add3A_197 = vector.broadcast %select_n3A_182 : i32 to vector<16xi32>
      %add3A_198 = arith.addi %rem3A_184, %add3A_197 : vector<16xi32>
      %select_n3A_199 = arith.select %and3A_196, %add3A_198, %rem3A_184 : vector<16xi1>, vector<16xi32>
      %add3A_200 = arith.addi %mul3A_177, %select_n3A_199 : vector<16xi32>
      %mul3A_201 = arith.constant 128 : i32
      %mul3A_202 = vector.broadcast %mul3A_201 : i32 to vector<16xi32>
      %mul3A_203 = arith.muli %mul3A_202, %add3A_143 : vector<16xi32>
      %add3A_204 = arith.addi %add3A_200, %mul3A_203 : vector<16xi32>
      %mul3A_205 = arith.constant 768 : i32
      %mul3A_206 = vector.broadcast %mul3A_205 : i32 to vector<16xi32>
      %mul3A_207 = arith.muli %add3A_204, %mul3A_206 : vector<16xi32>
      %add3A_208 = vector.broadcast %add3A_59 : i32 to vector<16xi32>
      %add3A_209 = arith.addi %add3A_208, %mul3A_207 : vector<16xi32>
      %mul3A_210 = arith.constant 256 : i32
      %mul3A_211 = arith.muli %scan3A_25, %mul3A_210 : i32
      %add3A_212 = arith.constant 16 : i32
      %add3A_213 = arith.addi %mul3A_211, %add3A_212 : i32
      %swap3A_214 = arith.index_cast %add3A_213 : i32 to index
      %swap3A_215 = tpu.vector_load %arg6[%swap3A_214] {strides = array<i32>} : memref<24576xi32, #tpu.memory_space<vmem>>, vector<16xi32>,
      tpu.vector_store %arg6[%swap3A_214], %add3A_209 {strides = array<i32>} : memref<24576xi32, #tpu.memory_space<vmem>>, vector<16xi32>,
      %slice3A_216 = vector.extract_strided_slice %get3A_62 {offsets = [1], sizes = [1], strides = [1]} : vector<16xi32> to vector<1xi32>
      %squeeze3A_217 = vector.extract %slice3A_216[0] : i32 from vector<1xi32>
      %broadcast_in_dim3A_218 = vector.broadcast %squeeze3A_217 : i32 to vector<16xi32>
      %iota3A_219 = tpu.iota {dimensions = array<i32: 0>} : vector<16xi32>
      %add3A_220 = arith.constant 0 : i32
      %add3A_221 = vector.broadcast %add3A_220 : i32 to vector<16xi32>
      %add3A_222 = arith.addi %add3A_221, %iota3A_219 : vector<16xi32>
      %jit3A_223 = arith.constant 128 : i32
      %div3A_224 = vector.broadcast %jit3A_223 : i32 to vector<16xi32>
      %div3A_225 = arith.divsi %broadcast_in_dim3A_218, %div3A_224 : vector<16xi32>
      %sign3A_226 = arith.constant 0 : i32
      %sign3A_227 = vector.broadcast %sign3A_226 : i32 to vector<16xi32>
      %sign3A_228 = arith.cmpi sgt, %broadcast_in_dim3A_218, %sign3A_227 : vector<16xi32>
      %sign3A_229 = arith.extui %sign3A_228 : vector<16xi1> to vector<16xi32>
      %sign3A_230 = arith.constant 0 : i32
      %sign3A_231 = vector.broadcast %sign3A_230 : i32 to vector<16xi32>
      %sign3A_232 = arith.cmpi slt, %broadcast_in_dim3A_218, %sign3A_231 : vector<16xi32>
      %sign3A_233 = arith.extui %sign3A_232 : vector<16xi1> to vector<16xi32>
      %sign3A_234 = arith.subi %sign3A_229, %sign3A_233 : vector<16xi32>
      %sign3A_235 = arith.constant 0 : i32
      %sign3A_236 = arith.cmpi sgt, %jit3A_223, %sign3A_235 : i32
      %sign3A_237 = arith.extui %sign3A_236 : i1 to i32
      %sign3A_238 = arith.constant 0 : i32
      %sign3A_239 = arith.cmpi slt, %jit3A_223, %sign3A_238 : i32
      %sign3A_240 = arith.extui %sign3A_239 : i1 to i32
      %sign3A_241 = arith.subi %sign3A_237, %sign3A_240 : i32
      %ne3A_242 = vector.broadcast %sign3A_241 : i32 to vector<16xi32>
      %ne3A_243 = arith.cmpi ne, %sign3A_234, %ne3A_242 : vector<16xi32>
      %rem3A_244 = vector.broadcast %jit3A_223 : i32 to vector<16xi32>
      %rem3A_245 = arith.remsi %broadcast_in_dim3A_218, %rem3A_244 : vector<16xi32>
      %ne3A_246 = arith.constant 0 : i32
      %ne3A_247 = vector.broadcast %ne3A_246 : i32 to vector<16xi32>
      %ne3A_248 = arith.cmpi ne, %rem3A_245, %ne3A_247 : vector<16xi32>
      %and3A_249 = arith.andi %ne3A_243, %ne3A_248 : vector<16xi1>
      %sub3A_250 = arith.constant 1 : i32
      %sub3A_251 = vector.broadcast %sub3A_250 : i32 to vector<16xi32>
      %sub3A_252 = arith.subi %div3A_225, %sub3A_251 : vector<16xi32>
      %select_n3A_253 = arith.select %and3A_249, %sub3A_252, %div3A_225 : vector<16xi1>, vector<16xi32>
      %mul3A_254 = arith.constant 4096 : i32
      %mul3A_255 = vector.broadcast %mul3A_254 : i32 to vector<16xi32>
      %mul3A_256 = arith.muli %select_n3A_253, %mul3A_255 : vector<16xi32>
      %jit3A_257 = arith.constant 128 : i32
      %eq3A_258 = arith.constant 0 : i32
      %eq3A_259 = arith.cmpi eq, %jit3A_257, %eq3A_258 : i32
      %jit3A_260 = arith.constant 1 : i32
      %select_n3A_261 = arith.select %eq3A_259, %jit3A_260, %jit3A_257 : i32
      %rem3A_262 = vector.broadcast %select_n3A_261 : i32 to vector<16xi32>
      %rem3A_263 = arith.remsi %broadcast_in_dim3A_218, %rem3A_262 : vector<16xi32>
      %ne3A_264 = arith.constant 0 : i32
      %ne3A_265 = vector.broadcast %ne3A_264 : i32 to vector<16xi32>
      %ne3A_266 = arith.cmpi ne, %rem3A_263, %ne3A_265 : vector<16xi32>
      %lt3A_267 = arith.constant 0 : i32
      %lt3A_268 = vector.broadcast %lt3A_267 : i32 to vector<16xi32>
      %lt3A_269 = arith.cmpi slt, %rem3A_263, %lt3A_268 : vector<16xi32>
      %lt3A_270 = arith.constant 0 : i32
      %lt3A_271 = arith.cmpi slt, %select_n3A_261, %lt3A_270 : i32
      %ne3A_272 = vector.broadcast %lt3A_271 : i1 to vector<16xi1>
      %ne3A_273 = vector.broadcast %ne3A_272 : vector<16xi1> to vector<16xi1>
      %ne3A_274 = arith.xori %lt3A_269, %ne3A_273 : vector<16xi1>
      %and3A_275 = arith.andi %ne3A_274, %ne3A_266 : vector<16xi1>
      %add3A_276 = vector.broadcast %select_n3A_261 : i32 to vector<16xi32>
      %add3A_277 = arith.addi %rem3A_263, %add3A_276 : vector<16xi32>
      %select_n3A_278 = arith.select %and3A_275, %add3A_277, %rem3A_263 : vector<16xi1>, vector<16xi32>
      %add3A_279 = arith.addi %mul3A_256, %select_n3A_278 : vector<16xi32>
      %mul3A_280 = arith.constant 128 : i32
      %mul3A_281 = vector.broadcast %mul3A_280 : i32 to vector<16xi32>
      %mul3A_282 = arith.muli %mul3A_281, %add3A_222 : vector<16xi32>
      %add3A_283 = arith.addi %add3A_279, %mul3A_282 : vector<16xi32>
      %mul3A_284 = arith.constant 768 : i32
      %mul3A_285 = vector.broadcast %mul3A_284 : i32 to vector<16xi32>
      %mul3A_286 = arith.muli %add3A_283, %mul3A_285 : vector<16xi32>
      %add3A_287 = vector.broadcast %add3A_59 : i32 to vector<16xi32>
      %add3A_288 = arith.addi %add3A_287, %mul3A_286 : vector<16xi32>
      %mul3A_289 = arith.constant 256 : i32
      %mul3A_290 = arith.muli %scan3A_25, %mul3A_289 : i32
      %add3A_291 = arith.constant 32 : i32
      %add3A_292 = arith.addi %mul3A_290, %add3A_291 : i32
      %swap3A_293 = arith.index_cast %add3A_292 : i32 to index
      %swap3A_294 = tpu.vector_load %arg6[%swap3A_293] {strides = array<i32>} : memref<24576xi32, #tpu.memory_space<vmem>>, vector<16xi32>,
      tpu.vector_store %arg6[%swap3A_293], %add3A_288 {strides = array<i32>} : memref<24576xi32, #tpu.memory_space<vmem>>, vector<16xi32>,
      %slice3A_295 = vector.extract_strided_slice %get3A_62 {offsets = [1], sizes = [1], strides = [1]} : vector<16xi32> to vector<1xi32>
      %squeeze3A_296 = vector.extract %slice3A_295[0] : i32 from vector<1xi32>
      %broadcast_in_dim3A_297 = vector.broadcast %squeeze3A_296 : i32 to vector<16xi32>
      %iota3A_298 = tpu.iota {dimensions = array<i32: 0>} : vector<16xi32>
      %add3A_299 = arith.constant 16 : i32
      %add3A_300 = vector.broadcast %add3A_299 : i32 to vector<16xi32>
      %add3A_301 = arith.addi %add3A_300, %iota3A_298 : vector<16xi32>
      %jit3A_302 = arith.constant 128 : i32
      %div3A_303 = vector.broadcast %jit3A_302 : i32 to vector<16xi32>
      %div3A_304 = arith.divsi %broadcast_in_dim3A_297, %div3A_303 : vector<16xi32>
      %sign3A_305 = arith.constant 0 : i32
      %sign3A_306 = vector.broadcast %sign3A_305 : i32 to vector<16xi32>
      %sign3A_307 = arith.cmpi sgt, %broadcast_in_dim3A_297, %sign3A_306 : vector<16xi32>
      %sign3A_308 = arith.extui %sign3A_307 : vector<16xi1> to vector<16xi32>
      %sign3A_309 = arith.constant 0 : i32
      %sign3A_310 = vector.broadcast %sign3A_309 : i32 to vector<16xi32>
      %sign3A_311 = arith.cmpi slt, %broadcast_in_dim3A_297, %sign3A_310 : vector<16xi32>
      %sign3A_312 = arith.extui %sign3A_311 : vector<16xi1> to vector<16xi32>
      %sign3A_313 = arith.subi %sign3A_308, %sign3A_312 : vector<16xi32>
      %sign3A_314 = arith.constant 0 : i32
      %sign3A_315 = arith.cmpi sgt, %jit3A_302, %sign3A_314 : i32
      %sign3A_316 = arith.extui %sign3A_315 : i1 to i32
      %sign3A_317 = arith.constant 0 : i32
      %sign3A_318 = arith.cmpi slt, %jit3A_302, %sign3A_317 : i32
      %sign3A_319 = arith.extui %sign3A_318 : i1 to i32
      %sign3A_320 = arith.subi %sign3A_316, %sign3A_319 : i32
      %ne3A_321 = vector.broadcast %sign3A_320 : i32 to vector<16xi32>
      %ne3A_322 = arith.cmpi ne, %sign3A_313, %ne3A_321 : vector<16xi32>
      %rem3A_323 = vector.broadcast %jit3A_302 : i32 to vector<16xi32>
      %rem3A_324 = arith.remsi %broadcast_in_dim3A_297, %rem3A_323 : vector<16xi32>
      %ne3A_325 = arith.constant 0 : i32
      %ne3A_326 = vector.broadcast %ne3A_325 : i32 to vector<16xi32>
      %ne3A_327 = arith.cmpi ne, %rem3A_324, %ne3A_326 : vector<16xi32>
      %and3A_328 = arith.andi %ne3A_322, %ne3A_327 : vector<16xi1>
      %sub3A_329 = arith.constant 1 : i32
      %sub3A_330 = vector.broadcast %sub3A_329 : i32 to vector<16xi32>
      %sub3A_331 = arith.subi %div3A_304, %sub3A_330 : vector<16xi32>
      %select_n3A_332 = arith.select %and3A_328, %sub3A_331, %div3A_304 : vector<16xi1>, vector<16xi32>
      %mul3A_333 = arith.constant 4096 : i32
      %mul3A_334 = vector.broadcast %mul3A_333 : i32 to vector<16xi32>
      %mul3A_335 = arith.muli %select_n3A_332, %mul3A_334 : vector<16xi32>
      %jit3A_336 = arith.constant 128 : i32
      %eq3A_337 = arith.constant 0 : i32
      %eq3A_338 = arith.cmpi eq, %jit3A_336, %eq3A_337 : i32
      %jit3A_339 = arith.constant 1 : i32
      %select_n3A_340 = arith.select %eq3A_338, %jit3A_339, %jit3A_336 : i32
      %rem3A_341 = vector.broadcast %select_n3A_340 : i32 to vector<16xi32>
      %rem3A_342 = arith.remsi %broadcast_in_dim3A_297, %rem3A_341 : vector<16xi32>
      %ne3A_343 = arith.constant 0 : i32
      %ne3A_344 = vector.broadcast %ne3A_343 : i32 to vector<16xi32>
      %ne3A_345 = arith.cmpi ne, %rem3A_342, %ne3A_344 : vector<16xi32>
      %lt3A_346 = arith.constant 0 : i32
      %lt3A_347 = vector.broadcast %lt3A_346 : i32 to vector<16xi32>
      %lt3A_348 = arith.cmpi slt, %rem3A_342, %lt3A_347 : vector<16xi32>
      %lt3A_349 = arith.constant 0 : i32
      %lt3A_350 = arith.cmpi slt, %select_n3A_340, %lt3A_349 : i32
      %ne3A_351 = vector.broadcast %lt3A_350 : i1 to vector<16xi1>
      %ne3A_352 = vector.broadcast %ne3A_351 : vector<16xi1> to vector<16xi1>
      %ne3A_353 = arith.xori %lt3A_348, %ne3A_352 : vector<16xi1>
      %and3A_354 = arith.andi %ne3A_353, %ne3A_345 : vector<16xi1>
      %add3A_355 = vector.broadcast %select_n3A_340 : i32 to vector<16xi32>
      %add3A_356 = arith.addi %rem3A_342, %add3A_355 : vector<16xi32>
      %select_n3A_357 = arith.select %and3A_354, %add3A_356, %rem3A_342 : vector<16xi1>, vector<16xi32>
      %add3A_358 = arith.addi %mul3A_335, %select_n3A_357 : vector<16xi32>
      %mul3A_359 = arith.constant 128 : i32
      %mul3A_360 = vector.broadcast %mul3A_359 : i32 to vector<16xi32>
      %mul3A_361 = arith.muli %mul3A_360, %add3A_301 : vector<16xi32>
      %add3A_362 = arith.addi %add3A_358, %mul3A_361 : vector<16xi32>
      %mul3A_363 = arith.constant 768 : i32
      %mul3A_364 = vector.broadcast %mul3A_363 : i32 to vector<16xi32>
      %mul3A_365 = arith.muli %add3A_362, %mul3A_364 : vector<16xi32>
      %add3A_366 = vector.broadcast %add3A_59 : i32 to vector<16xi32>
      %add3A_367 = arith.addi %add3A_366, %mul3A_365 : vector<16xi32>
      %mul3A_368 = arith.constant 256 : i32
      %mul3A_369 = arith.muli %scan3A_25, %mul3A_368 : i32
      %add3A_370 = arith.constant 48 : i32
      %add3A_371 = arith.addi %mul3A_369, %add3A_370 : i32
      %swap3A_372 = arith.index_cast %add3A_371 : i32 to index
      %swap3A_373 = tpu.vector_load %arg6[%swap3A_372] {strides = array<i32>} : memref<24576xi32, #tpu.memory_space<vmem>>, vector<16xi32>,
      tpu.vector_store %arg6[%swap3A_372], %add3A_367 {strides = array<i32>} : memref<24576xi32, #tpu.memory_space<vmem>>, vector<16xi32>,
      %slice3A_374 = vector.extract_strided_slice %get3A_62 {offsets = [2], sizes = [1], strides = [1]} : vector<16xi32> to vector<1xi32>
      %squeeze3A_375 = vector.extract %slice3A_374[0] : i32 from vector<1xi32>
      %broadcast_in_dim3A_376 = vector.broadcast %squeeze3A_375 : i32 to vector<16xi32>
      %iota3A_377 = tpu.iota {dimensions = array<i32: 0>} : vector<16xi32>
      %add3A_378 = arith.constant 0 : i32
      %add3A_379 = vector.broadcast %add3A_378 : i32 to vector<16xi32>
      %add3A_380 = arith.addi %add3A_379, %iota3A_377 : vector<16xi32>
      %jit3A_381 = arith.constant 128 : i32
      %div3A_382 = vector.broadcast %jit3A_381 : i32 to vector<16xi32>
      %div3A_383 = arith.divsi %broadcast_in_dim3A_376, %div3A_382 : vector<16xi32>
      %sign3A_384 = arith.constant 0 : i32
      %sign3A_385 = vector.broadcast %sign3A_384 : i32 to vector<16xi32>
      %sign3A_386 = arith.cmpi sgt, %broadcast_in_dim3A_376, %sign3A_385 : vector<16xi32>
      %sign3A_387 = arith.extui %sign3A_386 : vector<16xi1> to vector<16xi32>
      %sign3A_388 = arith.constant 0 : i32
      %sign3A_389 = vector.broadcast %sign3A_388 : i32 to vector<16xi32>
      %sign3A_390 = arith.cmpi slt, %broadcast_in_dim3A_376, %sign3A_389 : vector<16xi32>
      %sign3A_391 = arith.extui %sign3A_390 : vector<16xi1> to vector<16xi32>
      %sign3A_392 = arith.subi %sign3A_387, %sign3A_391 : vector<16xi32>
      %sign3A_393 = arith.constant 0 : i32
      %sign3A_394 = arith.cmpi sgt, %jit3A_381, %sign3A_393 : i32
      %sign3A_395 = arith.extui %sign3A_394 : i1 to i32
      %sign3A_396 = arith.constant 0 : i32
      %sign3A_397 = arith.cmpi slt, %jit3A_381, %sign3A_396 : i32
      %sign3A_398 = arith.extui %sign3A_397 : i1 to i32
      %sign3A_399 = arith.subi %sign3A_395, %sign3A_398 : i32
      %ne3A_400 = vector.broadcast %sign3A_399 : i32 to vector<16xi32>
      %ne3A_401 = arith.cmpi ne, %sign3A_392, %ne3A_400 : vector<16xi32>
      %rem3A_402 = vector.broadcast %jit3A_381 : i32 to vector<16xi32>
      %rem3A_403 = arith.remsi %broadcast_in_dim3A_376, %rem3A_402 : vector<16xi32>
      %ne3A_404 = arith.constant 0 : i32
      %ne3A_405 = vector.broadcast %ne3A_404 : i32 to vector<16xi32>
      %ne3A_406 = arith.cmpi ne, %rem3A_403, %ne3A_405 : vector<16xi32>
      %and3A_407 = arith.andi %ne3A_401, %ne3A_406 : vector<16xi1>
      %sub3A_408 = arith.constant 1 : i32
      %sub3A_409 = vector.broadcast %sub3A_408 : i32 to vector<16xi32>
      %sub3A_410 = arith.subi %div3A_383, %sub3A_409 : vector<16xi32>
      %select_n3A_411 = arith.select %and3A_407, %sub3A_410, %div3A_383 : vector<16xi1>, vector<16xi32>
      %mul3A_412 = arith.constant 4096 : i32
      %mul3A_413 = vector.broadcast %mul3A_412 : i32 to vector<16xi32>
      %mul3A_414 = arith.muli %select_n3A_411, %mul3A_413 : vector<16xi32>
      %jit3A_415 = arith.constant 128 : i32
      %eq3A_416 = arith.constant 0 : i32
      %eq3A_417 = arith.cmpi eq, %jit3A_415, %eq3A_416 : i32
      %jit3A_418 = arith.constant 1 : i32
      %select_n3A_419 = arith.select %eq3A_417, %jit3A_418, %jit3A_415 : i32
      %rem3A_420 = vector.broadcast %select_n3A_419 : i32 to vector<16xi32>
      %rem3A_421 = arith.remsi %broadcast_in_dim3A_376, %rem3A_420 : vector<16xi32>
      %ne3A_422 = arith.constant 0 : i32
      %ne3A_423 = vector.broadcast %ne3A_422 : i32 to vector<16xi32>
      %ne3A_424 = arith.cmpi ne, %rem3A_421, %ne3A_423 : vector<16xi32>
      %lt3A_425 = arith.constant 0 : i32
      %lt3A_426 = vector.broadcast %lt3A_425 : i32 to vector<16xi32>
      %lt3A_427 = arith.cmpi slt, %rem3A_421, %lt3A_426 : vector<16xi32>
      %lt3A_428 = arith.constant 0 : i32
      %lt3A_429 = arith.cmpi slt, %select_n3A_419, %lt3A_428 : i32
      %ne3A_430 = vector.broadcast %lt3A_429 : i1 to vector<16xi1>
      %ne3A_431 = vector.broadcast %ne3A_430 : vector<16xi1> to vector<16xi1>
      %ne3A_432 = arith.xori %lt3A_427, %ne3A_431 : vector<16xi1>
      %and3A_433 = arith.andi %ne3A_432, %ne3A_424 : vector<16xi1>
      %add3A_434 = vector.broadcast %select_n3A_419 : i32 to vector<16xi32>
      %add3A_435 = arith.addi %rem3A_421, %add3A_434 : vector<16xi32>
      %select_n3A_436 = arith.select %and3A_433, %add3A_435, %rem3A_421 : vector<16xi1>, vector<16xi32>
      %add3A_437 = arith.addi %mul3A_414, %select_n3A_436 : vector<16xi32>
      %mul3A_438 = arith.constant 128 : i32
      %mul3A_439 = vector.broadcast %mul3A_438 : i32 to vector<16xi32>
      %mul3A_440 = arith.muli %mul3A_439, %add3A_380 : vector<16xi32>
      %add3A_441 = arith.addi %add3A_437, %mul3A_440 : vector<16xi32>
      %mul3A_442 = arith.constant 768 : i32
      %mul3A_443 = vector.broadcast %mul3A_442 : i32 to vector<16xi32>
      %mul3A_444 = arith.muli %add3A_441, %mul3A_443 : vector<16xi32>
      %add3A_445 = vector.broadcast %add3A_59 : i32 to vector<16xi32>
      %add3A_446 = arith.addi %add3A_445, %mul3A_444 : vector<16xi32>
      %mul3A_447 = arith.constant 256 : i32
      %mul3A_448 = arith.muli %scan3A_25, %mul3A_447 : i32
      %add3A_449 = arith.constant 64 : i32
      %add3A_450 = arith.addi %mul3A_448, %add3A_449 : i32
      %swap3A_451 = arith.index_cast %add3A_450 : i32 to index
      %swap3A_452 = tpu.vector_load %arg6[%swap3A_451] {strides = array<i32>} : memref<24576xi32, #tpu.memory_space<vmem>>, vector<16xi32>,
      tpu.vector_store %arg6[%swap3A_451], %add3A_446 {strides = array<i32>} : memref<24576xi32, #tpu.memory_space<vmem>>, vector<16xi32>,
      %slice3A_453 = vector.extract_strided_slice %get3A_62 {offsets = [2], sizes = [1], strides = [1]} : vector<16xi32> to vector<1xi32>
      %squeeze3A_454 = vector.extract %slice3A_453[0] : i32 from vector<1xi32>
      %broadcast_in_dim3A_455 = vector.broadcast %squeeze3A_454 : i32 to vector<16xi32>
      %iota3A_456 = tpu.iota {dimensions = array<i32: 0>} : vector<16xi32>
      %add3A_457 = arith.constant 16 : i32
      %add3A_458 = vector.broadcast %add3A_457 : i32 to vector<16xi32>
      %add3A_459 = arith.addi %add3A_458, %iota3A_456 : vector<16xi32>
      %jit3A_460 = arith.constant 128 : i32
      %div3A_461 = vector.broadcast %jit3A_460 : i32 to vector<16xi32>
      %div3A_462 = arith.divsi %broadcast_in_dim3A_455, %div3A_461 : vector<16xi32>
      %sign3A_463 = arith.constant 0 : i32
      %sign3A_464 = vector.broadcast %sign3A_463 : i32 to vector<16xi32>
      %sign3A_465 = arith.cmpi sgt, %broadcast_in_dim3A_455, %sign3A_464 : vector<16xi32>
      %sign3A_466 = arith.extui %sign3A_465 : vector<16xi1> to vector<16xi32>
      %sign3A_467 = arith.constant 0 : i32
      %sign3A_468 = vector.broadcast %sign3A_467 : i32 to vector<16xi32>
      %sign3A_469 = arith.cmpi slt, %broadcast_in_dim3A_455, %sign3A_468 : vector<16xi32>
      %sign3A_470 = arith.extui %sign3A_469 : vector<16xi1> to vector<16xi32>
      %sign3A_471 = arith.subi %sign3A_466, %sign3A_470 : vector<16xi32>
      %sign3A_472 = arith.constant 0 : i32
      %sign3A_473 = arith.cmpi sgt, %jit3A_460, %sign3A_472 : i32
      %sign3A_474 = arith.extui %sign3A_473 : i1 to i32
      %sign3A_475 = arith.constant 0 : i32
      %sign3A_476 = arith.cmpi slt, %jit3A_460, %sign3A_475 : i32
      %sign3A_477 = arith.extui %sign3A_476 : i1 to i32
      %sign3A_478 = arith.subi %sign3A_474, %sign3A_477 : i32
      %ne3A_479 = vector.broadcast %sign3A_478 : i32 to vector<16xi32>
      %ne3A_480 = arith.cmpi ne, %sign3A_471, %ne3A_479 : vector<16xi32>
      %rem3A_481 = vector.broadcast %jit3A_460 : i32 to vector<16xi32>
      %rem3A_482 = arith.remsi %broadcast_in_dim3A_455, %rem3A_481 : vector<16xi32>
      %ne3A_483 = arith.constant 0 : i32
      %ne3A_484 = vector.broadcast %ne3A_483 : i32 to vector<16xi32>
      %ne3A_485 = arith.cmpi ne, %rem3A_482, %ne3A_484 : vector<16xi32>
      %and3A_486 = arith.andi %ne3A_480, %ne3A_485 : vector<16xi1>
      %sub3A_487 = arith.constant 1 : i32
      %sub3A_488 = vector.broadcast %sub3A_487 : i32 to vector<16xi32>
      %sub3A_489 = arith.subi %div3A_462, %sub3A_488 : vector<16xi32>
      %select_n3A_490 = arith.select %and3A_486, %sub3A_489, %div3A_462 : vector<16xi1>, vector<16xi32>
      %mul3A_491 = arith.constant 4096 : i32
      %mul3A_492 = vector.broadcast %mul3A_491 : i32 to vector<16xi32>
      %mul3A_493 = arith.muli %select_n3A_490, %mul3A_492 : vector<16xi32>
      %jit3A_494 = arith.constant 128 : i32
      %eq3A_495 = arith.constant 0 : i32
      %eq3A_496 = arith.cmpi eq, %jit3A_494, %eq3A_495 : i32
      %jit3A_497 = arith.constant 1 : i32
      %select_n3A_498 = arith.select %eq3A_496, %jit3A_497, %jit3A_494 : i32
      %rem3A_499 = vector.broadcast %select_n3A_498 : i32 to vector<16xi32>
      %rem3A_500 = arith.remsi %broadcast_in_dim3A_455, %rem3A_499 : vector<16xi32>
      %ne3A_501 = arith.constant 0 : i32
      %ne3A_502 = vector.broadcast %ne3A_501 : i32 to vector<16xi32>
      %ne3A_503 = arith.cmpi ne, %rem3A_500, %ne3A_502 : vector<16xi32>
      %lt3A_504 = arith.constant 0 : i32
      %lt3A_505 = vector.broadcast %lt3A_504 : i32 to vector<16xi32>
      %lt3A_506 = arith.cmpi slt, %rem3A_500, %lt3A_505 : vector<16xi32>
      %lt3A_507 = arith.constant 0 : i32
      %lt3A_508 = arith.cmpi slt, %select_n3A_498, %lt3A_507 : i32
      %ne3A_509 = vector.broadcast %lt3A_508 : i1 to vector<16xi1>
      %ne3A_510 = vector.broadcast %ne3A_509 : vector<16xi1> to vector<16xi1>
      %ne3A_511 = arith.xori %lt3A_506, %ne3A_510 : vector<16xi1>
      %and3A_512 = arith.andi %ne3A_511, %ne3A_503 : vector<16xi1>
      %add3A_513 = vector.broadcast %select_n3A_498 : i32 to vector<16xi32>
      %add3A_514 = arith.addi %rem3A_500, %add3A_513 : vector<16xi32>
      %select_n3A_515 = arith.select %and3A_512, %add3A_514, %rem3A_500 : vector<16xi1>, vector<16xi32>
      %add3A_516 = arith.addi %mul3A_493, %select_n3A_515 : vector<16xi32>
      %mul3A_517 = arith.constant 128 : i32
      %mul3A_518 = vector.broadcast %mul3A_517 : i32 to vector<16xi32>
      %mul3A_519 = arith.muli %mul3A_518, %add3A_459 : vector<16xi32>
      %add3A_520 = arith.addi %add3A_516, %mul3A_519 : vector<16xi32>
      %mul3A_521 = arith.constant 768 : i32
      %mul3A_522 = vector.broadcast %mul3A_521 : i32 to vector<16xi32>
      %mul3A_523 = arith.muli %add3A_520, %mul3A_522 : vector<16xi32>
      %add3A_524 = vector.broadcast %add3A_59 : i32 to vector<16xi32>
      %add3A_525 = arith.addi %add3A_524, %mul3A_523 : vector<16xi32>
      %mul3A_526 = arith.constant 256 : i32
      %mul3A_527 = arith.muli %scan3A_25, %mul3A_526 : i32
      %add3A_528 = arith.constant 80 : i32
      %add3A_529 = arith.addi %mul3A_527, %add3A_528 : i32
      %swap3A_530 = arith.index_cast %add3A_529 : i32 to index
      %swap3A_531 = tpu.vector_load %arg6[%swap3A_530] {strides = array<i32>} : memref<24576xi32, #tpu.memory_space<vmem>>, vector<16xi32>,
      tpu.vector_store %arg6[%swap3A_530], %add3A_525 {strides = array<i32>} : memref<24576xi32, #tpu.memory_space<vmem>>, vector<16xi32>,
      %slice3A_532 = vector.extract_strided_slice %get3A_62 {offsets = [3], sizes = [1], strides = [1]} : vector<16xi32> to vector<1xi32>
      %squeeze3A_533 = vector.extract %slice3A_532[0] : i32 from vector<1xi32>
      %broadcast_in_dim3A_534 = vector.broadcast %squeeze3A_533 : i32 to vector<16xi32>
      %iota3A_535 = tpu.iota {dimensions = array<i32: 0>} : vector<16xi32>
      %add3A_536 = arith.constant 0 : i32
      %add3A_537 = vector.broadcast %add3A_536 : i32 to vector<16xi32>
      %add3A_538 = arith.addi %add3A_537, %iota3A_535 : vector<16xi32>
      %jit3A_539 = arith.constant 128 : i32
      %div3A_540 = vector.broadcast %jit3A_539 : i32 to vector<16xi32>
      %div3A_541 = arith.divsi %broadcast_in_dim3A_534, %div3A_540 : vector<16xi32>
      %sign3A_542 = arith.constant 0 : i32
      %sign3A_543 = vector.broadcast %sign3A_542 : i32 to vector<16xi32>
      %sign3A_544 = arith.cmpi sgt, %broadcast_in_dim3A_534, %sign3A_543 : vector<16xi32>
      %sign3A_545 = arith.extui %sign3A_544 : vector<16xi1> to vector<16xi32>
      %sign3A_546 = arith.constant 0 : i32
      %sign3A_547 = vector.broadcast %sign3A_546 : i32 to vector<16xi32>
      %sign3A_548 = arith.cmpi slt, %broadcast_in_dim3A_534, %sign3A_547 : vector<16xi32>
      %sign3A_549 = arith.extui %sign3A_548 : vector<16xi1> to vector<16xi32>
      %sign3A_550 = arith.subi %sign3A_545, %sign3A_549 : vector<16xi32>
      %sign3A_551 = arith.constant 0 : i32
      %sign3A_552 = arith.cmpi sgt, %jit3A_539, %sign3A_551 : i32
      %sign3A_553 = arith.extui %sign3A_552 : i1 to i32
      %sign3A_554 = arith.constant 0 : i32
      %sign3A_555 = arith.cmpi slt, %jit3A_539, %sign3A_554 : i32
      %sign3A_556 = arith.extui %sign3A_555 : i1 to i32
      %sign3A_557 = arith.subi %sign3A_553, %sign3A_556 : i32
      %ne3A_558 = vector.broadcast %sign3A_557 : i32 to vector<16xi32>
      %ne3A_559 = arith.cmpi ne, %sign3A_550, %ne3A_558 : vector<16xi32>
      %rem3A_560 = vector.broadcast %jit3A_539 : i32 to vector<16xi32>
      %rem3A_561 = arith.remsi %broadcast_in_dim3A_534, %rem3A_560 : vector<16xi32>
      %ne3A_562 = arith.constant 0 : i32
      %ne3A_563 = vector.broadcast %ne3A_562 : i32 to vector<16xi32>
      %ne3A_564 = arith.cmpi ne, %rem3A_561, %ne3A_563 : vector<16xi32>
      %and3A_565 = arith.andi %ne3A_559, %ne3A_564 : vector<16xi1>
      %sub3A_566 = arith.constant 1 : i32
      %sub3A_567 = vector.broadcast %sub3A_566 : i32 to vector<16xi32>
      %sub3A_568 = arith.subi %div3A_541, %sub3A_567 : vector<16xi32>
      %select_n3A_569 = arith.select %and3A_565, %sub3A_568, %div3A_541 : vector<16xi1>, vector<16xi32>
      %mul3A_570 = arith.constant 4096 : i32
      %mul3A_571 = vector.broadcast %mul3A_570 : i32 to vector<16xi32>
      %mul3A_572 = arith.muli %select_n3A_569, %mul3A_571 : vector<16xi32>
      %jit3A_573 = arith.constant 128 : i32
      %eq3A_574 = arith.constant 0 : i32
      %eq3A_575 = arith.cmpi eq, %jit3A_573, %eq3A_574 : i32
      %jit3A_576 = arith.constant 1 : i32
      %select_n3A_577 = arith.select %eq3A_575, %jit3A_576, %jit3A_573 : i32
      %rem3A_578 = vector.broadcast %select_n3A_577 : i32 to vector<16xi32>
      %rem3A_579 = arith.remsi %broadcast_in_dim3A_534, %rem3A_578 : vector<16xi32>
      %ne3A_580 = arith.constant 0 : i32
      %ne3A_581 = vector.broadcast %ne3A_580 : i32 to vector<16xi32>
      %ne3A_582 = arith.cmpi ne, %rem3A_579, %ne3A_581 : vector<16xi32>
      %lt3A_583 = arith.constant 0 : i32
      %lt3A_584 = vector.broadcast %lt3A_583 : i32 to vector<16xi32>
      %lt3A_585 = arith.cmpi slt, %rem3A_579, %lt3A_584 : vector<16xi32>
      %lt3A_586 = arith.constant 0 : i32
      %lt3A_587 = arith.cmpi slt, %select_n3A_577, %lt3A_586 : i32
      %ne3A_588 = vector.broadcast %lt3A_587 : i1 to vector<16xi1>
      %ne3A_589 = vector.broadcast %ne3A_588 : vector<16xi1> to vector<16xi1>
      %ne3A_590 = arith.xori %lt3A_585, %ne3A_589 : vector<16xi1>
      %and3A_591 = arith.andi %ne3A_590, %ne3A_582 : vector<16xi1>
      %add3A_592 = vector.broadcast %select_n3A_577 : i32 to vector<16xi32>
      %add3A_593 = arith.addi %rem3A_579, %add3A_592 : vector<16xi32>
      %select_n3A_594 = arith.select %and3A_591, %add3A_593, %rem3A_579 : vector<16xi1>, vector<16xi32>
      %add3A_595 = arith.addi %mul3A_572, %select_n3A_594 : vector<16xi32>
      %mul3A_596 = arith.constant 128 : i32
      %mul3A_597 = vector.broadcast %mul3A_596 : i32 to vector<16xi32>
      %mul3A_598 = arith.muli %mul3A_597, %add3A_538 : vector<16xi32>
      %add3A_599 = arith.addi %add3A_595, %mul3A_598 : vector<16xi32>
      %mul3A_600 = arith.constant 768 : i32
      %mul3A_601 = vector.broadcast %mul3A_600 : i32 to vector<16xi32>
      %mul3A_602 = arith.muli %add3A_599, %mul3A_601 : vector<16xi32>
      %add3A_603 = vector.broadcast %add3A_59 : i32 to vector<16xi32>
      %add3A_604 = arith.addi %add3A_603, %mul3A_602 : vector<16xi32>
      %mul3A_605 = arith.constant 256 : i32
      %mul3A_606 = arith.muli %scan3A_25, %mul3A_605 : i32
      %add3A_607 = arith.constant 96 : i32
      %add3A_608 = arith.addi %mul3A_606, %add3A_607 : i32
      %swap3A_609 = arith.index_cast %add3A_608 : i32 to index
      %swap3A_610 = tpu.vector_load %arg6[%swap3A_609] {strides = array<i32>} : memref<24576xi32, #tpu.memory_space<vmem>>, vector<16xi32>,
      tpu.vector_store %arg6[%swap3A_609], %add3A_604 {strides = array<i32>} : memref<24576xi32, #tpu.memory_space<vmem>>, vector<16xi32>,
      %slice3A_611 = vector.extract_strided_slice %get3A_62 {offsets = [3], sizes = [1], strides = [1]} : vector<16xi32> to vector<1xi32>
      %squeeze3A_612 = vector.extract %slice3A_611[0] : i32 from vector<1xi32>
      %broadcast_in_dim3A_613 = vector.broadcast %squeeze3A_612 : i32 to vector<16xi32>
      %iota3A_614 = tpu.iota {dimensions = array<i32: 0>} : vector<16xi32>
      %add3A_615 = arith.constant 16 : i32
      %add3A_616 = vector.broadcast %add3A_615 : i32 to vector<16xi32>
      %add3A_617 = arith.addi %add3A_616, %iota3A_614 : vector<16xi32>
      %jit3A_618 = arith.constant 128 : i32
      %div3A_619 = vector.broadcast %jit3A_618 : i32 to vector<16xi32>
      %div3A_620 = arith.divsi %broadcast_in_dim3A_613, %div3A_619 : vector<16xi32>
      %sign3A_621 = arith.constant 0 : i32
      %sign3A_622 = vector.broadcast %sign3A_621 : i32 to vector<16xi32>
      %sign3A_623 = arith.cmpi sgt, %broadcast_in_dim3A_613, %sign3A_622 : vector<16xi32>
      %sign3A_624 = arith.extui %sign3A_623 : vector<16xi1> to vector<16xi32>
      %sign3A_625 = arith.constant 0 : i32
      %sign3A_626 = vector.broadcast %sign3A_625 : i32 to vector<16xi32>
      %sign3A_627 = arith.cmpi slt, %broadcast_in_dim3A_613, %sign3A_626 : vector<16xi32>
      %sign3A_628 = arith.extui %sign3A_627 : vector<16xi1> to vector<16xi32>
      %sign3A_629 = arith.subi %sign3A_624, %sign3A_628 : vector<16xi32>
      %sign3A_630 = arith.constant 0 : i32
      %sign3A_631 = arith.cmpi sgt, %jit3A_618, %sign3A_630 : i32
      %sign3A_632 = arith.extui %sign3A_631 : i1 to i32
      %sign3A_633 = arith.constant 0 : i32
      %sign3A_634 = arith.cmpi slt, %jit3A_618, %sign3A_633 : i32
      %sign3A_635 = arith.extui %sign3A_634 : i1 to i32
      %sign3A_636 = arith.subi %sign3A_632, %sign3A_635 : i32
      %ne3A_637 = vector.broadcast %sign3A_636 : i32 to vector<16xi32>
      %ne3A_638 = arith.cmpi ne, %sign3A_629, %ne3A_637 : vector<16xi32>
      %rem3A_639 = vector.broadcast %jit3A_618 : i32 to vector<16xi32>
      %rem3A_640 = arith.remsi %broadcast_in_dim3A_613, %rem3A_639 : vector<16xi32>
      %ne3A_641 = arith.constant 0 : i32
      %ne3A_642 = vector.broadcast %ne3A_641 : i32 to vector<16xi32>
      %ne3A_643 = arith.cmpi ne, %rem3A_640, %ne3A_642 : vector<16xi32>
      %and3A_644 = arith.andi %ne3A_638, %ne3A_643 : vector<16xi1>
      %sub3A_645 = arith.constant 1 : i32
      %sub3A_646 = vector.broadcast %sub3A_645 : i32 to vector<16xi32>
      %sub3A_647 = arith.subi %div3A_620, %sub3A_646 : vector<16xi32>
      %select_n3A_648 = arith.select %and3A_644, %sub3A_647, %div3A_620 : vector<16xi1>, vector<16xi32>
      %mul3A_649 = arith.constant 4096 : i32
      %mul3A_650 = vector.broadcast %mul3A_649 : i32 to vector<16xi32>
      %mul3A_651 = arith.muli %select_n3A_648, %mul3A_650 : vector<16xi32>
      %jit3A_652 = arith.constant 128 : i32
      %eq3A_653 = arith.constant 0 : i32
      %eq3A_654 = arith.cmpi eq, %jit3A_652, %eq3A_653 : i32
      %jit3A_655 = arith.constant 1 : i32
      %select_n3A_656 = arith.select %eq3A_654, %jit3A_655, %jit3A_652 : i32
      %rem3A_657 = vector.broadcast %select_n3A_656 : i32 to vector<16xi32>
      %rem3A_658 = arith.remsi %broadcast_in_dim3A_613, %rem3A_657 : vector<16xi32>
      %ne3A_659 = arith.constant 0 : i32
      %ne3A_660 = vector.broadcast %ne3A_659 : i32 to vector<16xi32>
      %ne3A_661 = arith.cmpi ne, %rem3A_658, %ne3A_660 : vector<16xi32>
      %lt3A_662 = arith.constant 0 : i32
      %lt3A_663 = vector.broadcast %lt3A_662 : i32 to vector<16xi32>
      %lt3A_664 = arith.cmpi slt, %rem3A_658, %lt3A_663 : vector<16xi32>
      %lt3A_665 = arith.constant 0 : i32
      %lt3A_666 = arith.cmpi slt, %select_n3A_656, %lt3A_665 : i32
      %ne3A_667 = vector.broadcast %lt3A_666 : i1 to vector<16xi1>
      %ne3A_668 = vector.broadcast %ne3A_667 : vector<16xi1> to vector<16xi1>
      %ne3A_669 = arith.xori %lt3A_664, %ne3A_668 : vector<16xi1>
      %and3A_670 = arith.andi %ne3A_669, %ne3A_661 : vector<16xi1>
      %add3A_671 = vector.broadcast %select_n3A_656 : i32 to vector<16xi32>
      %add3A_672 = arith.addi %rem3A_658, %add3A_671 : vector<16xi32>
      %select_n3A_673 = arith.select %and3A_670, %add3A_672, %rem3A_658 : vector<16xi1>, vector<16xi32>
      %add3A_674 = arith.addi %mul3A_651, %select_n3A_673 : vector<16xi32>
      %mul3A_675 = arith.constant 128 : i32
      %mul3A_676 = vector.broadcast %mul3A_675 : i32 to vector<16xi32>
      %mul3A_677 = arith.muli %mul3A_676, %add3A_617 : vector<16xi32>
      %add3A_678 = arith.addi %add3A_674, %mul3A_677 : vector<16xi32>
      %mul3A_679 = arith.constant 768 : i32
      %mul3A_680 = vector.broadcast %mul3A_679 : i32 to vector<16xi32>
      %mul3A_681 = arith.muli %add3A_678, %mul3A_680 : vector<16xi32>
      %add3A_682 = vector.broadcast %add3A_59 : i32 to vector<16xi32>
      %add3A_683 = arith.addi %add3A_682, %mul3A_681 : vector<16xi32>
      %mul3A_684 = arith.constant 256 : i32
      %mul3A_685 = arith.muli %scan3A_25, %mul3A_684 : i32
      %add3A_686 = arith.constant 112 : i32
      %add3A_687 = arith.addi %mul3A_685, %add3A_686 : i32
      %swap3A_688 = arith.index_cast %add3A_687 : i32 to index
      %swap3A_689 = tpu.vector_load %arg6[%swap3A_688] {strides = array<i32>} : memref<24576xi32, #tpu.memory_space<vmem>>, vector<16xi32>,
      tpu.vector_store %arg6[%swap3A_688], %add3A_683 {strides = array<i32>} : memref<24576xi32, #tpu.memory_space<vmem>>, vector<16xi32>,
      %slice3A_690 = vector.extract_strided_slice %get3A_62 {offsets = [4], sizes = [1], strides = [1]} : vector<16xi32> to vector<1xi32>
      %squeeze3A_691 = vector.extract %slice3A_690[0] : i32 from vector<1xi32>
      %broadcast_in_dim3A_692 = vector.broadcast %squeeze3A_691 : i32 to vector<16xi32>
      %iota3A_693 = tpu.iota {dimensions = array<i32: 0>} : vector<16xi32>
      %add3A_694 = arith.constant 0 : i32
      %add3A_695 = vector.broadcast %add3A_694 : i32 to vector<16xi32>
      %add3A_696 = arith.addi %add3A_695, %iota3A_693 : vector<16xi32>
      %jit3A_697 = arith.constant 128 : i32
      %div3A_698 = vector.broadcast %jit3A_697 : i32 to vector<16xi32>
      %div3A_699 = arith.divsi %broadcast_in_dim3A_692, %div3A_698 : vector<16xi32>
      %sign3A_700 = arith.constant 0 : i32
      %sign3A_701 = vector.broadcast %sign3A_700 : i32 to vector<16xi32>
      %sign3A_702 = arith.cmpi sgt, %broadcast_in_dim3A_692, %sign3A_701 : vector<16xi32>
      %sign3A_703 = arith.extui %sign3A_702 : vector<16xi1> to vector<16xi32>
      %sign3A_704 = arith.constant 0 : i32
      %sign3A_705 = vector.broadcast %sign3A_704 : i32 to vector<16xi32>
      %sign3A_706 = arith.cmpi slt, %broadcast_in_dim3A_692, %sign3A_705 : vector<16xi32>
      %sign3A_707 = arith.extui %sign3A_706 : vector<16xi1> to vector<16xi32>
      %sign3A_708 = arith.subi %sign3A_703, %sign3A_707 : vector<16xi32>
      %sign3A_709 = arith.constant 0 : i32
      %sign3A_710 = arith.cmpi sgt, %jit3A_697, %sign3A_709 : i32
      %sign3A_711 = arith.extui %sign3A_710 : i1 to i32
      %sign3A_712 = arith.constant 0 : i32
      %sign3A_713 = arith.cmpi slt, %jit3A_697, %sign3A_712 : i32
      %sign3A_714 = arith.extui %sign3A_713 : i1 to i32
      %sign3A_715 = arith.subi %sign3A_711, %sign3A_714 : i32
      %ne3A_716 = vector.broadcast %sign3A_715 : i32 to vector<16xi32>
      %ne3A_717 = arith.cmpi ne, %sign3A_708, %ne3A_716 : vector<16xi32>
      %rem3A_718 = vector.broadcast %jit3A_697 : i32 to vector<16xi32>
      %rem3A_719 = arith.remsi %broadcast_in_dim3A_692, %rem3A_718 : vector<16xi32>
      %ne3A_720 = arith.constant 0 : i32
      %ne3A_721 = vector.broadcast %ne3A_720 : i32 to vector<16xi32>
      %ne3A_722 = arith.cmpi ne, %rem3A_719, %ne3A_721 : vector<16xi32>
      %and3A_723 = arith.andi %ne3A_717, %ne3A_722 : vector<16xi1>
      %sub3A_724 = arith.constant 1 : i32
      %sub3A_725 = vector.broadcast %sub3A_724 : i32 to vector<16xi32>
      %sub3A_726 = arith.subi %div3A_699, %sub3A_725 : vector<16xi32>
      %select_n3A_727 = arith.select %and3A_723, %sub3A_726, %div3A_699 : vector<16xi1>, vector<16xi32>
      %mul3A_728 = arith.constant 4096 : i32
      %mul3A_729 = vector.broadcast %mul3A_728 : i32 to vector<16xi32>
      %mul3A_730 = arith.muli %select_n3A_727, %mul3A_729 : vector<16xi32>
      %jit3A_731 = arith.constant 128 : i32
      %eq3A_732 = arith.constant 0 : i32
      %eq3A_733 = arith.cmpi eq, %jit3A_731, %eq3A_732 : i32
      %jit3A_734 = arith.constant 1 : i32
      %select_n3A_735 = arith.select %eq3A_733, %jit3A_734, %jit3A_731 : i32
      %rem3A_736 = vector.broadcast %select_n3A_735 : i32 to vector<16xi32>
      %rem3A_737 = arith.remsi %broadcast_in_dim3A_692, %rem3A_736 : vector<16xi32>
      %ne3A_738 = arith.constant 0 : i32
      %ne3A_739 = vector.broadcast %ne3A_738 : i32 to vector<16xi32>
      %ne3A_740 = arith.cmpi ne, %rem3A_737, %ne3A_739 : vector<16xi32>
      %lt3A_741 = arith.constant 0 : i32
      %lt3A_742 = vector.broadcast %lt3A_741 : i32 to vector<16xi32>
      %lt3A_743 = arith.cmpi slt, %rem3A_737, %lt3A_742 : vector<16xi32>
      %lt3A_744 = arith.constant 0 : i32
      %lt3A_745 = arith.cmpi slt, %select_n3A_735, %lt3A_744 : i32
      %ne3A_746 = vector.broadcast %lt3A_745 : i1 to vector<16xi1>
      %ne3A_747 = vector.broadcast %ne3A_746 : vector<16xi1> to vector<16xi1>
      %ne3A_748 = arith.xori %lt3A_743, %ne3A_747 : vector<16xi1>
      %and3A_749 = arith.andi %ne3A_748, %ne3A_740 : vector<16xi1>
      %add3A_750 = vector.broadcast %select_n3A_735 : i32 to vector<16xi32>
      %add3A_751 = arith.addi %rem3A_737, %add3A_750 : vector<16xi32>
      %select_n3A_752 = arith.select %and3A_749, %add3A_751, %rem3A_737 : vector<16xi1>, vector<16xi32>
      %add3A_753 = arith.addi %mul3A_730, %select_n3A_752 : vector<16xi32>
      %mul3A_754 = arith.constant 128 : i32
      %mul3A_755 = vector.broadcast %mul3A_754 : i32 to vector<16xi32>
      %mul3A_756 = arith.muli %mul3A_755, %add3A_696 : vector<16xi32>
      %add3A_757 = arith.addi %add3A_753, %mul3A_756 : vector<16xi32>
      %mul3A_758 = arith.constant 768 : i32
      %mul3A_759 = vector.broadcast %mul3A_758 : i32 to vector<16xi32>
      %mul3A_760 = arith.muli %add3A_757, %mul3A_759 : vector<16xi32>
      %add3A_761 = vector.broadcast %add3A_59 : i32 to vector<16xi32>
      %add3A_762 = arith.addi %add3A_761, %mul3A_760 : vector<16xi32>
      %mul3A_763 = arith.constant 256 : i32
      %mul3A_764 = arith.muli %scan3A_25, %mul3A_763 : i32
      %add3A_765 = arith.constant 128 : i32
      %add3A_766 = arith.addi %mul3A_764, %add3A_765 : i32
      %swap3A_767 = arith.index_cast %add3A_766 : i32 to index
      %swap3A_768 = tpu.vector_load %arg6[%swap3A_767] {strides = array<i32>} : memref<24576xi32, #tpu.memory_space<vmem>>, vector<16xi32>,
      tpu.vector_store %arg6[%swap3A_767], %add3A_762 {strides = array<i32>} : memref<24576xi32, #tpu.memory_space<vmem>>, vector<16xi32>,
      %slice3A_769 = vector.extract_strided_slice %get3A_62 {offsets = [4], sizes = [1], strides = [1]} : vector<16xi32> to vector<1xi32>
      %squeeze3A_770 = vector.extract %slice3A_769[0] : i32 from vector<1xi32>
      %broadcast_in_dim3A_771 = vector.broadcast %squeeze3A_770 : i32 to vector<16xi32>
      %iota3A_772 = tpu.iota {dimensions = array<i32: 0>} : vector<16xi32>
      %add3A_773 = arith.constant 16 : i32
      %add3A_774 = vector.broadcast %add3A_773 : i32 to vector<16xi32>
      %add3A_775 = arith.addi %add3A_774, %iota3A_772 : vector<16xi32>
      %jit3A_776 = arith.constant 128 : i32
      %div3A_777 = vector.broadcast %jit3A_776 : i32 to vector<16xi32>
      %div3A_778 = arith.divsi %broadcast_in_dim3A_771, %div3A_777 : vector<16xi32>
      %sign3A_779 = arith.constant 0 : i32
      %sign3A_780 = vector.broadcast %sign3A_779 : i32 to vector<16xi32>
      %sign3A_781 = arith.cmpi sgt, %broadcast_in_dim3A_771, %sign3A_780 : vector<16xi32>
      %sign3A_782 = arith.extui %sign3A_781 : vector<16xi1> to vector<16xi32>
      %sign3A_783 = arith.constant 0 : i32
      %sign3A_784 = vector.broadcast %sign3A_783 : i32 to vector<16xi32>
      %sign3A_785 = arith.cmpi slt, %broadcast_in_dim3A_771, %sign3A_784 : vector<16xi32>
      %sign3A_786 = arith.extui %sign3A_785 : vector<16xi1> to vector<16xi32>
      %sign3A_787 = arith.subi %sign3A_782, %sign3A_786 : vector<16xi32>
      %sign3A_788 = arith.constant 0 : i32
      %sign3A_789 = arith.cmpi sgt, %jit3A_776, %sign3A_788 : i32
      %sign3A_790 = arith.extui %sign3A_789 : i1 to i32
      %sign3A_791 = arith.constant 0 : i32
      %sign3A_792 = arith.cmpi slt, %jit3A_776, %sign3A_791 : i32
      %sign3A_793 = arith.extui %sign3A_792 : i1 to i32
      %sign3A_794 = arith.subi %sign3A_790, %sign3A_793 : i32
      %ne3A_795 = vector.broadcast %sign3A_794 : i32 to vector<16xi32>
      %ne3A_796 = arith.cmpi ne, %sign3A_787, %ne3A_795 : vector<16xi32>
      %rem3A_797 = vector.broadcast %jit3A_776 : i32 to vector<16xi32>
      %rem3A_798 = arith.remsi %broadcast_in_dim3A_771, %rem3A_797 : vector<16xi32>
      %ne3A_799 = arith.constant 0 : i32
      %ne3A_800 = vector.broadcast %ne3A_799 : i32 to vector<16xi32>
      %ne3A_801 = arith.cmpi ne, %rem3A_798, %ne3A_800 : vector<16xi32>
      %and3A_802 = arith.andi %ne3A_796, %ne3A_801 : vector<16xi1>
      %sub3A_803 = arith.constant 1 : i32
      %sub3A_804 = vector.broadcast %sub3A_803 : i32 to vector<16xi32>
      %sub3A_805 = arith.subi %div3A_778, %sub3A_804 : vector<16xi32>
      %select_n3A_806 = arith.select %and3A_802, %sub3A_805, %div3A_778 : vector<16xi1>, vector<16xi32>
      %mul3A_807 = arith.constant 4096 : i32
      %mul3A_808 = vector.broadcast %mul3A_807 : i32 to vector<16xi32>
      %mul3A_809 = arith.muli %select_n3A_806, %mul3A_808 : vector<16xi32>
      %jit3A_810 = arith.constant 128 : i32
      %eq3A_811 = arith.constant 0 : i32
      %eq3A_812 = arith.cmpi eq, %jit3A_810, %eq3A_811 : i32
      %jit3A_813 = arith.constant 1 : i32
      %select_n3A_814 = arith.select %eq3A_812, %jit3A_813, %jit3A_810 : i32
      %rem3A_815 = vector.broadcast %select_n3A_814 : i32 to vector<16xi32>
      %rem3A_816 = arith.remsi %broadcast_in_dim3A_771, %rem3A_815 : vector<16xi32>
      %ne3A_817 = arith.constant 0 : i32
      %ne3A_818 = vector.broadcast %ne3A_817 : i32 to vector<16xi32>
      %ne3A_819 = arith.cmpi ne, %rem3A_816, %ne3A_818 : vector<16xi32>
      %lt3A_820 = arith.constant 0 : i32
      %lt3A_821 = vector.broadcast %lt3A_820 : i32 to vector<16xi32>
      %lt3A_822 = arith.cmpi slt, %rem3A_816, %lt3A_821 : vector<16xi32>
      %lt3A_823 = arith.constant 0 : i32
      %lt3A_824 = arith.cmpi slt, %select_n3A_814, %lt3A_823 : i32
      %ne3A_825 = vector.broadcast %lt3A_824 : i1 to vector<16xi1>
      %ne3A_826 = vector.broadcast %ne3A_825 : vector<16xi1> to vector<16xi1>
      %ne3A_827 = arith.xori %lt3A_822, %ne3A_826 : vector<16xi1>
      %and3A_828 = arith.andi %ne3A_827, %ne3A_819 : vector<16xi1>
      %add3A_829 = vector.broadcast %select_n3A_814 : i32 to vector<16xi32>
      %add3A_830 = arith.addi %rem3A_816, %add3A_829 : vector<16xi32>
      %select_n3A_831 = arith.select %and3A_828, %add3A_830, %rem3A_816 : vector<16xi1>, vector<16xi32>
      %add3A_832 = arith.addi %mul3A_809, %select_n3A_831 : vector<16xi32>
      %mul3A_833 = arith.constant 128 : i32
      %mul3A_834 = vector.broadcast %mul3A_833 : i32 to vector<16xi32>
      %mul3A_835 = arith.muli %mul3A_834, %add3A_775 : vector<16xi32>
      %add3A_836 = arith.addi %add3A_832, %mul3A_835 : vector<16xi32>
      %mul3A_837 = arith.constant 768 : i32
      %mul3A_838 = vector.broadcast %mul3A_837 : i32 to vector<16xi32>
      %mul3A_839 = arith.muli %add3A_836, %mul3A_838 : vector<16xi32>
      %add3A_840 = vector.broadcast %add3A_59 : i32 to vector<16xi32>
      %add3A_841 = arith.addi %add3A_840, %mul3A_839 : vector<16xi32>
      %mul3A_842 = arith.constant 256 : i32
      %mul3A_843 = arith.muli %scan3A_25, %mul3A_842 : i32
      %add3A_844 = arith.constant 144 : i32
      %add3A_845 = arith.addi %mul3A_843, %add3A_844 : i32
      %swap3A_846 = arith.index_cast %add3A_845 : i32 to index
      %swap3A_847 = tpu.vector_load %arg6[%swap3A_846] {strides = array<i32>} : memref<24576xi32, #tpu.memory_space<vmem>>, vector<16xi32>,
      tpu.vector_store %arg6[%swap3A_846], %add3A_841 {strides = array<i32>} : memref<24576xi32, #tpu.memory_space<vmem>>, vector<16xi32>,
      %slice3A_848 = vector.extract_strided_slice %get3A_62 {offsets = [5], sizes = [1], strides = [1]} : vector<16xi32> to vector<1xi32>
      %squeeze3A_849 = vector.extract %slice3A_848[0] : i32 from vector<1xi32>
      %broadcast_in_dim3A_850 = vector.broadcast %squeeze3A_849 : i32 to vector<16xi32>
      %iota3A_851 = tpu.iota {dimensions = array<i32: 0>} : vector<16xi32>
      %add3A_852 = arith.constant 0 : i32
      %add3A_853 = vector.broadcast %add3A_852 : i32 to vector<16xi32>
      %add3A_854 = arith.addi %add3A_853, %iota3A_851 : vector<16xi32>
      %jit3A_855 = arith.constant 128 : i32
      %div3A_856 = vector.broadcast %jit3A_855 : i32 to vector<16xi32>
      %div3A_857 = arith.divsi %broadcast_in_dim3A_850, %div3A_856 : vector<16xi32>
      %sign3A_858 = arith.constant 0 : i32
      %sign3A_859 = vector.broadcast %sign3A_858 : i32 to vector<16xi32>
      %sign3A_860 = arith.cmpi sgt, %broadcast_in_dim3A_850, %sign3A_859 : vector<16xi32>
      %sign3A_861 = arith.extui %sign3A_860 : vector<16xi1> to vector<16xi32>
      %sign3A_862 = arith.constant 0 : i32
      %sign3A_863 = vector.broadcast %sign3A_862 : i32 to vector<16xi32>
      %sign3A_864 = arith.cmpi slt, %broadcast_in_dim3A_850, %sign3A_863 : vector<16xi32>
      %sign3A_865 = arith.extui %sign3A_864 : vector<16xi1> to vector<16xi32>
      %sign3A_866 = arith.subi %sign3A_861, %sign3A_865 : vector<16xi32>
      %sign3A_867 = arith.constant 0 : i32
      %sign3A_868 = arith.cmpi sgt, %jit3A_855, %sign3A_867 : i32
      %sign3A_869 = arith.extui %sign3A_868 : i1 to i32
      %sign3A_870 = arith.constant 0 : i32
      %sign3A_871 = arith.cmpi slt, %jit3A_855, %sign3A_870 : i32
      %sign3A_872 = arith.extui %sign3A_871 : i1 to i32
      %sign3A_873 = arith.subi %sign3A_869, %sign3A_872 : i32
      %ne3A_874 = vector.broadcast %sign3A_873 : i32 to vector<16xi32>
      %ne3A_875 = arith.cmpi ne, %sign3A_866, %ne3A_874 : vector<16xi32>
      %rem3A_876 = vector.broadcast %jit3A_855 : i32 to vector<16xi32>
      %rem3A_877 = arith.remsi %broadcast_in_dim3A_850, %rem3A_876 : vector<16xi32>
      %ne3A_878 = arith.constant 0 : i32
      %ne3A_879 = vector.broadcast %ne3A_878 : i32 to vector<16xi32>
      %ne3A_880 = arith.cmpi ne, %rem3A_877, %ne3A_879 : vector<16xi32>
      %and3A_881 = arith.andi %ne3A_875, %ne3A_880 : vector<16xi1>
      %sub3A_882 = arith.constant 1 : i32
      %sub3A_883 = vector.broadcast %sub3A_882 : i32 to vector<16xi32>
      %sub3A_884 = arith.subi %div3A_857, %sub3A_883 : vector<16xi32>
      %select_n3A_885 = arith.select %and3A_881, %sub3A_884, %div3A_857 : vector<16xi1>, vector<16xi32>
      %mul3A_886 = arith.constant 4096 : i32
      %mul3A_887 = vector.broadcast %mul3A_886 : i32 to vector<16xi32>
      %mul3A_888 = arith.muli %select_n3A_885, %mul3A_887 : vector<16xi32>
      %jit3A_889 = arith.constant 128 : i32
      %eq3A_890 = arith.constant 0 : i32
      %eq3A_891 = arith.cmpi eq, %jit3A_889, %eq3A_890 : i32
      %jit3A_892 = arith.constant 1 : i32
      %select_n3A_893 = arith.select %eq3A_891, %jit3A_892, %jit3A_889 : i32
      %rem3A_894 = vector.broadcast %select_n3A_893 : i32 to vector<16xi32>
      %rem3A_895 = arith.remsi %broadcast_in_dim3A_850, %rem3A_894 : vector<16xi32>
      %ne3A_896 = arith.constant 0 : i32
      %ne3A_897 = vector.broadcast %ne3A_896 : i32 to vector<16xi32>
      %ne3A_898 = arith.cmpi ne, %rem3A_895, %ne3A_897 : vector<16xi32>
      %lt3A_899 = arith.constant 0 : i32
      %lt3A_900 = vector.broadcast %lt3A_899 : i32 to vector<16xi32>
      %lt3A_901 = arith.cmpi slt, %rem3A_895, %lt3A_900 : vector<16xi32>
      %lt3A_902 = arith.constant 0 : i32
      %lt3A_903 = arith.cmpi slt, %select_n3A_893, %lt3A_902 : i32
      %ne3A_904 = vector.broadcast %lt3A_903 : i1 to vector<16xi1>
      %ne3A_905 = vector.broadcast %ne3A_904 : vector<16xi1> to vector<16xi1>
      %ne3A_906 = arith.xori %lt3A_901, %ne3A_905 : vector<16xi1>
      %and3A_907 = arith.andi %ne3A_906, %ne3A_898 : vector<16xi1>
      %add3A_908 = vector.broadcast %select_n3A_893 : i32 to vector<16xi32>
      %add3A_909 = arith.addi %rem3A_895, %add3A_908 : vector<16xi32>
      %select_n3A_910 = arith.select %and3A_907, %add3A_909, %rem3A_895 : vector<16xi1>, vector<16xi32>
      %add3A_911 = arith.addi %mul3A_888, %select_n3A_910 : vector<16xi32>
      %mul3A_912 = arith.constant 128 : i32
      %mul3A_913 = vector.broadcast %mul3A_912 : i32 to vector<16xi32>
      %mul3A_914 = arith.muli %mul3A_913, %add3A_854 : vector<16xi32>
      %add3A_915 = arith.addi %add3A_911, %mul3A_914 : vector<16xi32>
      %mul3A_916 = arith.constant 768 : i32
      %mul3A_917 = vector.broadcast %mul3A_916 : i32 to vector<16xi32>
      %mul3A_918 = arith.muli %add3A_915, %mul3A_917 : vector<16xi32>
      %add3A_919 = vector.broadcast %add3A_59 : i32 to vector<16xi32>
      %add3A_920 = arith.addi %add3A_919, %mul3A_918 : vector<16xi32>
      %mul3A_921 = arith.constant 256 : i32
      %mul3A_922 = arith.muli %scan3A_25, %mul3A_921 : i32
      %add3A_923 = arith.constant 160 : i32
      %add3A_924 = arith.addi %mul3A_922, %add3A_923 : i32
      %swap3A_925 = arith.index_cast %add3A_924 : i32 to index
      %swap3A_926 = tpu.vector_load %arg6[%swap3A_925] {strides = array<i32>} : memref<24576xi32, #tpu.memory_space<vmem>>, vector<16xi32>,
      tpu.vector_store %arg6[%swap3A_925], %add3A_920 {strides = array<i32>} : memref<24576xi32, #tpu.memory_space<vmem>>, vector<16xi32>,
      %slice3A_927 = vector.extract_strided_slice %get3A_62 {offsets = [5], sizes = [1], strides = [1]} : vector<16xi32> to vector<1xi32>
      %squeeze3A_928 = vector.extract %slice3A_927[0] : i32 from vector<1xi32>
      %broadcast_in_dim3A_929 = vector.broadcast %squeeze3A_928 : i32 to vector<16xi32>
      %iota3A_930 = tpu.iota {dimensions = array<i32: 0>} : vector<16xi32>
      %add3A_931 = arith.constant 16 : i32
      %add3A_932 = vector.broadcast %add3A_931 : i32 to vector<16xi32>
      %add3A_933 = arith.addi %add3A_932, %iota3A_930 : vector<16xi32>
      %jit3A_934 = arith.constant 128 : i32
      %div3A_935 = vector.broadcast %jit3A_934 : i32 to vector<16xi32>
      %div3A_936 = arith.divsi %broadcast_in_dim3A_929, %div3A_935 : vector<16xi32>
      %sign3A_937 = arith.constant 0 : i32
      %sign3A_938 = vector.broadcast %sign3A_937 : i32 to vector<16xi32>
      %sign3A_939 = arith.cmpi sgt, %broadcast_in_dim3A_929, %sign3A_938 : vector<16xi32>
      %sign3A_940 = arith.extui %sign3A_939 : vector<16xi1> to vector<16xi32>
      %sign3A_941 = arith.constant 0 : i32
      %sign3A_942 = vector.broadcast %sign3A_941 : i32 to vector<16xi32>
      %sign3A_943 = arith.cmpi slt, %broadcast_in_dim3A_929, %sign3A_942 : vector<16xi32>
      %sign3A_944 = arith.extui %sign3A_943 : vector<16xi1> to vector<16xi32>
      %sign3A_945 = arith.subi %sign3A_940, %sign3A_944 : vector<16xi32>
      %sign3A_946 = arith.constant 0 : i32
      %sign3A_947 = arith.cmpi sgt, %jit3A_934, %sign3A_946 : i32
      %sign3A_948 = arith.extui %sign3A_947 : i1 to i32
      %sign3A_949 = arith.constant 0 : i32
      %sign3A_950 = arith.cmpi slt, %jit3A_934, %sign3A_949 : i32
      %sign3A_951 = arith.extui %sign3A_950 : i1 to i32
      %sign3A_952 = arith.subi %sign3A_948, %sign3A_951 : i32
      %ne3A_953 = vector.broadcast %sign3A_952 : i32 to vector<16xi32>
      %ne3A_954 = arith.cmpi ne, %sign3A_945, %ne3A_953 : vector<16xi32>
      %rem3A_955 = vector.broadcast %jit3A_934 : i32 to vector<16xi32>
      %rem3A_956 = arith.remsi %broadcast_in_dim3A_929, %rem3A_955 : vector<16xi32>
      %ne3A_957 = arith.constant 0 : i32
      %ne3A_958 = vector.broadcast %ne3A_957 : i32 to vector<16xi32>
      %ne3A_959 = arith.cmpi ne, %rem3A_956, %ne3A_958 : vector<16xi32>
      %and3A_960 = arith.andi %ne3A_954, %ne3A_959 : vector<16xi1>
      %sub3A_961 = arith.constant 1 : i32
      %sub3A_962 = vector.broadcast %sub3A_961 : i32 to vector<16xi32>
      %sub3A_963 = arith.subi %div3A_936, %sub3A_962 : vector<16xi32>
      %select_n3A_964 = arith.select %and3A_960, %sub3A_963, %div3A_936 : vector<16xi1>, vector<16xi32>
      %mul3A_965 = arith.constant 4096 : i32
      %mul3A_966 = vector.broadcast %mul3A_965 : i32 to vector<16xi32>
      %mul3A_967 = arith.muli %select_n3A_964, %mul3A_966 : vector<16xi32>
      %jit3A_968 = arith.constant 128 : i32
      %eq3A_969 = arith.constant 0 : i32
      %eq3A_970 = arith.cmpi eq, %jit3A_968, %eq3A_969 : i32
      %jit3A_971 = arith.constant 1 : i32
      %select_n3A_972 = arith.select %eq3A_970, %jit3A_971, %jit3A_968 : i32
      %rem3A_973 = vector.broadcast %select_n3A_972 : i32 to vector<16xi32>
      %rem3A_974 = arith.remsi %broadcast_in_dim3A_929, %rem3A_973 : vector<16xi32>
      %ne3A_975 = arith.constant 0 : i32
      %ne3A_976 = vector.broadcast %ne3A_975 : i32 to vector<16xi32>
      %ne3A_977 = arith.cmpi ne, %rem3A_974, %ne3A_976 : vector<16xi32>
      %lt3A_978 = arith.constant 0 : i32
      %lt3A_979 = vector.broadcast %lt3A_978 : i32 to vector<16xi32>
      %lt3A_980 = arith.cmpi slt, %rem3A_974, %lt3A_979 : vector<16xi32>
      %lt3A_981 = arith.constant 0 : i32
      %lt3A_982 = arith.cmpi slt, %select_n3A_972, %lt3A_981 : i32
      %ne3A_983 = vector.broadcast %lt3A_982 : i1 to vector<16xi1>
      %ne3A_984 = vector.broadcast %ne3A_983 : vector<16xi1> to vector<16xi1>
      %ne3A_985 = arith.xori %lt3A_980, %ne3A_984 : vector<16xi1>
      %and3A_986 = arith.andi %ne3A_985, %ne3A_977 : vector<16xi1>
      %add3A_987 = vector.broadcast %select_n3A_972 : i32 to vector<16xi32>
      %add3A_988 = arith.addi %rem3A_974, %add3A_987 : vector<16xi32>
      %select_n3A_989 = arith.select %and3A_986, %add3A_988, %rem3A_974 : vector<16xi1>, vector<16xi32>
      %add3A_990 = arith.addi %mul3A_967, %select_n3A_989 : vector<16xi32>
      %mul3A_991 = arith.constant 128 : i32
      %mul3A_992 = vector.broadcast %mul3A_991 : i32 to vector<16xi32>
      %mul3A_993 = arith.muli %mul3A_992, %add3A_933 : vector<16xi32>
      %add3A_994 = arith.addi %add3A_990, %mul3A_993 : vector<16xi32>
      %mul3A_995 = arith.constant 768 : i32
      %mul3A_996 = vector.broadcast %mul3A_995 : i32 to vector<16xi32>
      %mul3A_997 = arith.muli %add3A_994, %mul3A_996 : vector<16xi32>
      %add3A_998 = vector.broadcast %add3A_59 : i32 to vector<16xi32>
      %add3A_999 = arith.addi %add3A_998, %mul3A_997 : vector<16xi32>
      %mul3A_1000 = arith.constant 256 : i32
      %mul3A_1001 = arith.muli %scan3A_25, %mul3A_1000 : i32
      %add3A_1002 = arith.constant 176 : i32
      %add3A_1003 = arith.addi %mul3A_1001, %add3A_1002 : i32
      %swap3A_1004 = arith.index_cast %add3A_1003 : i32 to index
      %swap3A_1005 = tpu.vector_load %arg6[%swap3A_1004] {strides = array<i32>} : memref<24576xi32, #tpu.memory_space<vmem>>, vector<16xi32>,
      tpu.vector_store %arg6[%swap3A_1004], %add3A_999 {strides = array<i32>} : memref<24576xi32, #tpu.memory_space<vmem>>, vector<16xi32>,
      %slice3A_1006 = vector.extract_strided_slice %get3A_62 {offsets = [6], sizes = [1], strides = [1]} : vector<16xi32> to vector<1xi32>
      %squeeze3A_1007 = vector.extract %slice3A_1006[0] : i32 from vector<1xi32>
      %broadcast_in_dim3A_1008 = vector.broadcast %squeeze3A_1007 : i32 to vector<16xi32>
      %iota3A_1009 = tpu.iota {dimensions = array<i32: 0>} : vector<16xi32>
      %add3A_1010 = arith.constant 0 : i32
      %add3A_1011 = vector.broadcast %add3A_1010 : i32 to vector<16xi32>
      %add3A_1012 = arith.addi %add3A_1011, %iota3A_1009 : vector<16xi32>
      %jit3A_1013 = arith.constant 128 : i32
      %div3A_1014 = vector.broadcast %jit3A_1013 : i32 to vector<16xi32>
      %div3A_1015 = arith.divsi %broadcast_in_dim3A_1008, %div3A_1014 : vector<16xi32>
      %sign3A_1016 = arith.constant 0 : i32
      %sign3A_1017 = vector.broadcast %sign3A_1016 : i32 to vector<16xi32>
      %sign3A_1018 = arith.cmpi sgt, %broadcast_in_dim3A_1008, %sign3A_1017 : vector<16xi32>
      %sign3A_1019 = arith.extui %sign3A_1018 : vector<16xi1> to vector<16xi32>
      %sign3A_1020 = arith.constant 0 : i32
      %sign3A_1021 = vector.broadcast %sign3A_1020 : i32 to vector<16xi32>
      %sign3A_1022 = arith.cmpi slt, %broadcast_in_dim3A_1008, %sign3A_1021 : vector<16xi32>
      %sign3A_1023 = arith.extui %sign3A_1022 : vector<16xi1> to vector<16xi32>
      %sign3A_1024 = arith.subi %sign3A_1019, %sign3A_1023 : vector<16xi32>
      %sign3A_1025 = arith.constant 0 : i32
      %sign3A_1026 = arith.cmpi sgt, %jit3A_1013, %sign3A_1025 : i32
      %sign3A_1027 = arith.extui %sign3A_1026 : i1 to i32
      %sign3A_1028 = arith.constant 0 : i32
      %sign3A_1029 = arith.cmpi slt, %jit3A_1013, %sign3A_1028 : i32
      %sign3A_1030 = arith.extui %sign3A_1029 : i1 to i32
      %sign3A_1031 = arith.subi %sign3A_1027, %sign3A_1030 : i32
      %ne3A_1032 = vector.broadcast %sign3A_1031 : i32 to vector<16xi32>
      %ne3A_1033 = arith.cmpi ne, %sign3A_1024, %ne3A_1032 : vector<16xi32>
      %rem3A_1034 = vector.broadcast %jit3A_1013 : i32 to vector<16xi32>
      %rem3A_1035 = arith.remsi %broadcast_in_dim3A_1008, %rem3A_1034 : vector<16xi32>
      %ne3A_1036 = arith.constant 0 : i32
      %ne3A_1037 = vector.broadcast %ne3A_1036 : i32 to vector<16xi32>
      %ne3A_1038 = arith.cmpi ne, %rem3A_1035, %ne3A_1037 : vector<16xi32>
      %and3A_1039 = arith.andi %ne3A_1033, %ne3A_1038 : vector<16xi1>
      %sub3A_1040 = arith.constant 1 : i32
      %sub3A_1041 = vector.broadcast %sub3A_1040 : i32 to vector<16xi32>
      %sub3A_1042 = arith.subi %div3A_1015, %sub3A_1041 : vector<16xi32>
      %select_n3A_1043 = arith.select %and3A_1039, %sub3A_1042, %div3A_1015 : vector<16xi1>, vector<16xi32>
      %mul3A_1044 = arith.constant 4096 : i32
      %mul3A_1045 = vector.broadcast %mul3A_1044 : i32 to vector<16xi32>
      %mul3A_1046 = arith.muli %select_n3A_1043, %mul3A_1045 : vector<16xi32>
      %jit3A_1047 = arith.constant 128 : i32
      %eq3A_1048 = arith.constant 0 : i32
      %eq3A_1049 = arith.cmpi eq, %jit3A_1047, %eq3A_1048 : i32
      %jit3A_1050 = arith.constant 1 : i32
      %select_n3A_1051 = arith.select %eq3A_1049, %jit3A_1050, %jit3A_1047 : i32
      %rem3A_1052 = vector.broadcast %select_n3A_1051 : i32 to vector<16xi32>
      %rem3A_1053 = arith.remsi %broadcast_in_dim3A_1008, %rem3A_1052 : vector<16xi32>
      %ne3A_1054 = arith.constant 0 : i32
      %ne3A_1055 = vector.broadcast %ne3A_1054 : i32 to vector<16xi32>
      %ne3A_1056 = arith.cmpi ne, %rem3A_1053, %ne3A_1055 : vector<16xi32>
      %lt3A_1057 = arith.constant 0 : i32
      %lt3A_1058 = vector.broadcast %lt3A_1057 : i32 to vector<16xi32>
      %lt3A_1059 = arith.cmpi slt, %rem3A_1053, %lt3A_1058 : vector<16xi32>
      %lt3A_1060 = arith.constant 0 : i32
      %lt3A_1061 = arith.cmpi slt, %select_n3A_1051, %lt3A_1060 : i32
      %ne3A_1062 = vector.broadcast %lt3A_1061 : i1 to vector<16xi1>
      %ne3A_1063 = vector.broadcast %ne3A_1062 : vector<16xi1> to vector<16xi1>
      %ne3A_1064 = arith.xori %lt3A_1059, %ne3A_1063 : vector<16xi1>
      %and3A_1065 = arith.andi %ne3A_1064, %ne3A_1056 : vector<16xi1>
      %add3A_1066 = vector.broadcast %select_n3A_1051 : i32 to vector<16xi32>
      %add3A_1067 = arith.addi %rem3A_1053, %add3A_1066 : vector<16xi32>
      %select_n3A_1068 = arith.select %and3A_1065, %add3A_1067, %rem3A_1053 : vector<16xi1>, vector<16xi32>
      %add3A_1069 = arith.addi %mul3A_1046, %select_n3A_1068 : vector<16xi32>
      %mul3A_1070 = arith.constant 128 : i32
      %mul3A_1071 = vector.broadcast %mul3A_1070 : i32 to vector<16xi32>
      %mul3A_1072 = arith.muli %mul3A_1071, %add3A_1012 : vector<16xi32>
      %add3A_1073 = arith.addi %add3A_1069, %mul3A_1072 : vector<16xi32>
      %mul3A_1074 = arith.constant 768 : i32
      %mul3A_1075 = vector.broadcast %mul3A_1074 : i32 to vector<16xi32>
      %mul3A_1076 = arith.muli %add3A_1073, %mul3A_1075 : vector<16xi32>
      %add3A_1077 = vector.broadcast %add3A_59 : i32 to vector<16xi32>
      %add3A_1078 = arith.addi %add3A_1077, %mul3A_1076 : vector<16xi32>
      %mul3A_1079 = arith.constant 256 : i32
      %mul3A_1080 = arith.muli %scan3A_25, %mul3A_1079 : i32
      %add3A_1081 = arith.constant 192 : i32
      %add3A_1082 = arith.addi %mul3A_1080, %add3A_1081 : i32
      %swap3A_1083 = arith.index_cast %add3A_1082 : i32 to index
      %swap3A_1084 = tpu.vector_load %arg6[%swap3A_1083] {strides = array<i32>} : memref<24576xi32, #tpu.memory_space<vmem>>, vector<16xi32>,
      tpu.vector_store %arg6[%swap3A_1083], %add3A_1078 {strides = array<i32>} : memref<24576xi32, #tpu.memory_space<vmem>>, vector<16xi32>,
      %slice3A_1085 = vector.extract_strided_slice %get3A_62 {offsets = [6], sizes = [1], strides = [1]} : vector<16xi32> to vector<1xi32>
      %squeeze3A_1086 = vector.extract %slice3A_1085[0] : i32 from vector<1xi32>
      %broadcast_in_dim3A_1087 = vector.broadcast %squeeze3A_1086 : i32 to vector<16xi32>
      %iota3A_1088 = tpu.iota {dimensions = array<i32: 0>} : vector<16xi32>
      %add3A_1089 = arith.constant 16 : i32
      %add3A_1090 = vector.broadcast %add3A_1089 : i32 to vector<16xi32>
      %add3A_1091 = arith.addi %add3A_1090, %iota3A_1088 : vector<16xi32>
      %jit3A_1092 = arith.constant 128 : i32
      %div3A_1093 = vector.broadcast %jit3A_1092 : i32 to vector<16xi32>
      %div3A_1094 = arith.divsi %broadcast_in_dim3A_1087, %div3A_1093 : vector<16xi32>
      %sign3A_1095 = arith.constant 0 : i32
      %sign3A_1096 = vector.broadcast %sign3A_1095 : i32 to vector<16xi32>
      %sign3A_1097 = arith.cmpi sgt, %broadcast_in_dim3A_1087, %sign3A_1096 : vector<16xi32>
      %sign3A_1098 = arith.extui %sign3A_1097 : vector<16xi1> to vector<16xi32>
      %sign3A_1099 = arith.constant 0 : i32
      %sign3A_1100 = vector.broadcast %sign3A_1099 : i32 to vector<16xi32>
      %sign3A_1101 = arith.cmpi slt, %broadcast_in_dim3A_1087, %sign3A_1100 : vector<16xi32>
      %sign3A_1102 = arith.extui %sign3A_1101 : vector<16xi1> to vector<16xi32>
      %sign3A_1103 = arith.subi %sign3A_1098, %sign3A_1102 : vector<16xi32>
      %sign3A_1104 = arith.constant 0 : i32
      %sign3A_1105 = arith.cmpi sgt, %jit3A_1092, %sign3A_1104 : i32
      %sign3A_1106 = arith.extui %sign3A_1105 : i1 to i32
      %sign3A_1107 = arith.constant 0 : i32
      %sign3A_1108 = arith.cmpi slt, %jit3A_1092, %sign3A_1107 : i32
      %sign3A_1109 = arith.extui %sign3A_1108 : i1 to i32
      %sign3A_1110 = arith.subi %sign3A_1106, %sign3A_1109 : i32
      %ne3A_1111 = vector.broadcast %sign3A_1110 : i32 to vector<16xi32>
      %ne3A_1112 = arith.cmpi ne, %sign3A_1103, %ne3A_1111 : vector<16xi32>
      %rem3A_1113 = vector.broadcast %jit3A_1092 : i32 to vector<16xi32>
      %rem3A_1114 = arith.remsi %broadcast_in_dim3A_1087, %rem3A_1113 : vector<16xi32>
      %ne3A_1115 = arith.constant 0 : i32
      %ne3A_1116 = vector.broadcast %ne3A_1115 : i32 to vector<16xi32>
      %ne3A_1117 = arith.cmpi ne, %rem3A_1114, %ne3A_1116 : vector<16xi32>
      %and3A_1118 = arith.andi %ne3A_1112, %ne3A_1117 : vector<16xi1>
      %sub3A_1119 = arith.constant 1 : i32
      %sub3A_1120 = vector.broadcast %sub3A_1119 : i32 to vector<16xi32>
      %sub3A_1121 = arith.subi %div3A_1094, %sub3A_1120 : vector<16xi32>
      %select_n3A_1122 = arith.select %and3A_1118, %sub3A_1121, %div3A_1094 : vector<16xi1>, vector<16xi32>
      %mul3A_1123 = arith.constant 4096 : i32
      %mul3A_1124 = vector.broadcast %mul3A_1123 : i32 to vector<16xi32>
      %mul3A_1125 = arith.muli %select_n3A_1122, %mul3A_1124 : vector<16xi32>
      %jit3A_1126 = arith.constant 128 : i32
      %eq3A_1127 = arith.constant 0 : i32
      %eq3A_1128 = arith.cmpi eq, %jit3A_1126, %eq3A_1127 : i32
      %jit3A_1129 = arith.constant 1 : i32
      %select_n3A_1130 = arith.select %eq3A_1128, %jit3A_1129, %jit3A_1126 : i32
      %rem3A_1131 = vector.broadcast %select_n3A_1130 : i32 to vector<16xi32>
      %rem3A_1132 = arith.remsi %broadcast_in_dim3A_1087, %rem3A_1131 : vector<16xi32>
      %ne3A_1133 = arith.constant 0 : i32
      %ne3A_1134 = vector.broadcast %ne3A_1133 : i32 to vector<16xi32>
      %ne3A_1135 = arith.cmpi ne, %rem3A_1132, %ne3A_1134 : vector<16xi32>
      %lt3A_1136 = arith.constant 0 : i32
      %lt3A_1137 = vector.broadcast %lt3A_1136 : i32 to vector<16xi32>
      %lt3A_1138 = arith.cmpi slt, %rem3A_1132, %lt3A_1137 : vector<16xi32>
      %lt3A_1139 = arith.constant 0 : i32
      %lt3A_1140 = arith.cmpi slt, %select_n3A_1130, %lt3A_1139 : i32
      %ne3A_1141 = vector.broadcast %lt3A_1140 : i1 to vector<16xi1>
      %ne3A_1142 = vector.broadcast %ne3A_1141 : vector<16xi1> to vector<16xi1>
      %ne3A_1143 = arith.xori %lt3A_1138, %ne3A_1142 : vector<16xi1>
      %and3A_1144 = arith.andi %ne3A_1143, %ne3A_1135 : vector<16xi1>
      %add3A_1145 = vector.broadcast %select_n3A_1130 : i32 to vector<16xi32>
      %add3A_1146 = arith.addi %rem3A_1132, %add3A_1145 : vector<16xi32>
      %select_n3A_1147 = arith.select %and3A_1144, %add3A_1146, %rem3A_1132 : vector<16xi1>, vector<16xi32>
      %add3A_1148 = arith.addi %mul3A_1125, %select_n3A_1147 : vector<16xi32>
      %mul3A_1149 = arith.constant 128 : i32
      %mul3A_1150 = vector.broadcast %mul3A_1149 : i32 to vector<16xi32>
      %mul3A_1151 = arith.muli %mul3A_1150, %add3A_1091 : vector<16xi32>
      %add3A_1152 = arith.addi %add3A_1148, %mul3A_1151 : vector<16xi32>
      %mul3A_1153 = arith.constant 768 : i32
      %mul3A_1154 = vector.broadcast %mul3A_1153 : i32 to vector<16xi32>
      %mul3A_1155 = arith.muli %add3A_1152, %mul3A_1154 : vector<16xi32>
      %add3A_1156 = vector.broadcast %add3A_59 : i32 to vector<16xi32>
      %add3A_1157 = arith.addi %add3A_1156, %mul3A_1155 : vector<16xi32>
      %mul3A_1158 = arith.constant 256 : i32
      %mul3A_1159 = arith.muli %scan3A_25, %mul3A_1158 : i32
      %add3A_1160 = arith.constant 208 : i32
      %add3A_1161 = arith.addi %mul3A_1159, %add3A_1160 : i32
      %swap3A_1162 = arith.index_cast %add3A_1161 : i32 to index
      %swap3A_1163 = tpu.vector_load %arg6[%swap3A_1162] {strides = array<i32>} : memref<24576xi32, #tpu.memory_space<vmem>>, vector<16xi32>,
      tpu.vector_store %arg6[%swap3A_1162], %add3A_1157 {strides = array<i32>} : memref<24576xi32, #tpu.memory_space<vmem>>, vector<16xi32>,
      %slice3A_1164 = vector.extract_strided_slice %get3A_62 {offsets = [7], sizes = [1], strides = [1]} : vector<16xi32> to vector<1xi32>
      %squeeze3A_1165 = vector.extract %slice3A_1164[0] : i32 from vector<1xi32>
      %broadcast_in_dim3A_1166 = vector.broadcast %squeeze3A_1165 : i32 to vector<16xi32>
      %iota3A_1167 = tpu.iota {dimensions = array<i32: 0>} : vector<16xi32>
      %add3A_1168 = arith.constant 0 : i32
      %add3A_1169 = vector.broadcast %add3A_1168 : i32 to vector<16xi32>
      %add3A_1170 = arith.addi %add3A_1169, %iota3A_1167 : vector<16xi32>
      %jit3A_1171 = arith.constant 128 : i32
      %div3A_1172 = vector.broadcast %jit3A_1171 : i32 to vector<16xi32>
      %div3A_1173 = arith.divsi %broadcast_in_dim3A_1166, %div3A_1172 : vector<16xi32>
      %sign3A_1174 = arith.constant 0 : i32
      %sign3A_1175 = vector.broadcast %sign3A_1174 : i32 to vector<16xi32>
      %sign3A_1176 = arith.cmpi sgt, %broadcast_in_dim3A_1166, %sign3A_1175 : vector<16xi32>
      %sign3A_1177 = arith.extui %sign3A_1176 : vector<16xi1> to vector<16xi32>
      %sign3A_1178 = arith.constant 0 : i32
      %sign3A_1179 = vector.broadcast %sign3A_1178 : i32 to vector<16xi32>
      %sign3A_1180 = arith.cmpi slt, %broadcast_in_dim3A_1166, %sign3A_1179 : vector<16xi32>
      %sign3A_1181 = arith.extui %sign3A_1180 : vector<16xi1> to vector<16xi32>
      %sign3A_1182 = arith.subi %sign3A_1177, %sign3A_1181 : vector<16xi32>
      %sign3A_1183 = arith.constant 0 : i32
      %sign3A_1184 = arith.cmpi sgt, %jit3A_1171, %sign3A_1183 : i32
      %sign3A_1185 = arith.extui %sign3A_1184 : i1 to i32
      %sign3A_1186 = arith.constant 0 : i32
      %sign3A_1187 = arith.cmpi slt, %jit3A_1171, %sign3A_1186 : i32
      %sign3A_1188 = arith.extui %sign3A_1187 : i1 to i32
      %sign3A_1189 = arith.subi %sign3A_1185, %sign3A_1188 : i32
      %ne3A_1190 = vector.broadcast %sign3A_1189 : i32 to vector<16xi32>
      %ne3A_1191 = arith.cmpi ne, %sign3A_1182, %ne3A_1190 : vector<16xi32>
      %rem3A_1192 = vector.broadcast %jit3A_1171 : i32 to vector<16xi32>
      %rem3A_1193 = arith.remsi %broadcast_in_dim3A_1166, %rem3A_1192 : vector<16xi32>
      %ne3A_1194 = arith.constant 0 : i32
      %ne3A_1195 = vector.broadcast %ne3A_1194 : i32 to vector<16xi32>
      %ne3A_1196 = arith.cmpi ne, %rem3A_1193, %ne3A_1195 : vector<16xi32>
      %and3A_1197 = arith.andi %ne3A_1191, %ne3A_1196 : vector<16xi1>
      %sub3A_1198 = arith.constant 1 : i32
      %sub3A_1199 = vector.broadcast %sub3A_1198 : i32 to vector<16xi32>
      %sub3A_1200 = arith.subi %div3A_1173, %sub3A_1199 : vector<16xi32>
      %select_n3A_1201 = arith.select %and3A_1197, %sub3A_1200, %div3A_1173 : vector<16xi1>, vector<16xi32>
      %mul3A_1202 = arith.constant 4096 : i32
      %mul3A_1203 = vector.broadcast %mul3A_1202 : i32 to vector<16xi32>
      %mul3A_1204 = arith.muli %select_n3A_1201, %mul3A_1203 : vector<16xi32>
      %jit3A_1205 = arith.constant 128 : i32
      %eq3A_1206 = arith.constant 0 : i32
      %eq3A_1207 = arith.cmpi eq, %jit3A_1205, %eq3A_1206 : i32
      %jit3A_1208 = arith.constant 1 : i32
      %select_n3A_1209 = arith.select %eq3A_1207, %jit3A_1208, %jit3A_1205 : i32
      %rem3A_1210 = vector.broadcast %select_n3A_1209 : i32 to vector<16xi32>
      %rem3A_1211 = arith.remsi %broadcast_in_dim3A_1166, %rem3A_1210 : vector<16xi32>
      %ne3A_1212 = arith.constant 0 : i32
      %ne3A_1213 = vector.broadcast %ne3A_1212 : i32 to vector<16xi32>
      %ne3A_1214 = arith.cmpi ne, %rem3A_1211, %ne3A_1213 : vector<16xi32>
      %lt3A_1215 = arith.constant 0 : i32
      %lt3A_1216 = vector.broadcast %lt3A_1215 : i32 to vector<16xi32>
      %lt3A_1217 = arith.cmpi slt, %rem3A_1211, %lt3A_1216 : vector<16xi32>
      %lt3A_1218 = arith.constant 0 : i32
      %lt3A_1219 = arith.cmpi slt, %select_n3A_1209, %lt3A_1218 : i32
      %ne3A_1220 = vector.broadcast %lt3A_1219 : i1 to vector<16xi1>
      %ne3A_1221 = vector.broadcast %ne3A_1220 : vector<16xi1> to vector<16xi1>
      %ne3A_1222 = arith.xori %lt3A_1217, %ne3A_1221 : vector<16xi1>
      %and3A_1223 = arith.andi %ne3A_1222, %ne3A_1214 : vector<16xi1>
      %add3A_1224 = vector.broadcast %select_n3A_1209 : i32 to vector<16xi32>
      %add3A_1225 = arith.addi %rem3A_1211, %add3A_1224 : vector<16xi32>
      %select_n3A_1226 = arith.select %and3A_1223, %add3A_1225, %rem3A_1211 : vector<16xi1>, vector<16xi32>
      %add3A_1227 = arith.addi %mul3A_1204, %select_n3A_1226 : vector<16xi32>
      %mul3A_1228 = arith.constant 128 : i32
      %mul3A_1229 = vector.broadcast %mul3A_1228 : i32 to vector<16xi32>
      %mul3A_1230 = arith.muli %mul3A_1229, %add3A_1170 : vector<16xi32>
      %add3A_1231 = arith.addi %add3A_1227, %mul3A_1230 : vector<16xi32>
      %mul3A_1232 = arith.constant 768 : i32
      %mul3A_1233 = vector.broadcast %mul3A_1232 : i32 to vector<16xi32>
      %mul3A_1234 = arith.muli %add3A_1231, %mul3A_1233 : vector<16xi32>
      %add3A_1235 = vector.broadcast %add3A_59 : i32 to vector<16xi32>
      %add3A_1236 = arith.addi %add3A_1235, %mul3A_1234 : vector<16xi32>
      %mul3A_1237 = arith.constant 256 : i32
      %mul3A_1238 = arith.muli %scan3A_25, %mul3A_1237 : i32
      %add3A_1239 = arith.constant 224 : i32
      %add3A_1240 = arith.addi %mul3A_1238, %add3A_1239 : i32
      %swap3A_1241 = arith.index_cast %add3A_1240 : i32 to index
      %swap3A_1242 = tpu.vector_load %arg6[%swap3A_1241] {strides = array<i32>} : memref<24576xi32, #tpu.memory_space<vmem>>, vector<16xi32>,
      tpu.vector_store %arg6[%swap3A_1241], %add3A_1236 {strides = array<i32>} : memref<24576xi32, #tpu.memory_space<vmem>>, vector<16xi32>,
      %slice3A_1243 = vector.extract_strided_slice %get3A_62 {offsets = [7], sizes = [1], strides = [1]} : vector<16xi32> to vector<1xi32>
      %squeeze3A_1244 = vector.extract %slice3A_1243[0] : i32 from vector<1xi32>
      %broadcast_in_dim3A_1245 = vector.broadcast %squeeze3A_1244 : i32 to vector<16xi32>
      %iota3A_1246 = tpu.iota {dimensions = array<i32: 0>} : vector<16xi32>
      %add3A_1247 = arith.constant 16 : i32
      %add3A_1248 = vector.broadcast %add3A_1247 : i32 to vector<16xi32>
      %add3A_1249 = arith.addi %add3A_1248, %iota3A_1246 : vector<16xi32>
      %jit3A_1250 = arith.constant 128 : i32
      %div3A_1251 = vector.broadcast %jit3A_1250 : i32 to vector<16xi32>
      %div3A_1252 = arith.divsi %broadcast_in_dim3A_1245, %div3A_1251 : vector<16xi32>
      %sign3A_1253 = arith.constant 0 : i32
      %sign3A_1254 = vector.broadcast %sign3A_1253 : i32 to vector<16xi32>
      %sign3A_1255 = arith.cmpi sgt, %broadcast_in_dim3A_1245, %sign3A_1254 : vector<16xi32>
      %sign3A_1256 = arith.extui %sign3A_1255 : vector<16xi1> to vector<16xi32>
      %sign3A_1257 = arith.constant 0 : i32
      %sign3A_1258 = vector.broadcast %sign3A_1257 : i32 to vector<16xi32>
      %sign3A_1259 = arith.cmpi slt, %broadcast_in_dim3A_1245, %sign3A_1258 : vector<16xi32>
      %sign3A_1260 = arith.extui %sign3A_1259 : vector<16xi1> to vector<16xi32>
      %sign3A_1261 = arith.subi %sign3A_1256, %sign3A_1260 : vector<16xi32>
      %sign3A_1262 = arith.constant 0 : i32
      %sign3A_1263 = arith.cmpi sgt, %jit3A_1250, %sign3A_1262 : i32
      %sign3A_1264 = arith.extui %sign3A_1263 : i1 to i32
      %sign3A_1265 = arith.constant 0 : i32
      %sign3A_1266 = arith.cmpi slt, %jit3A_1250, %sign3A_1265 : i32
      %sign3A_1267 = arith.extui %sign3A_1266 : i1 to i32
      %sign3A_1268 = arith.subi %sign3A_1264, %sign3A_1267 : i32
      %ne3A_1269 = vector.broadcast %sign3A_1268 : i32 to vector<16xi32>
      %ne3A_1270 = arith.cmpi ne, %sign3A_1261, %ne3A_1269 : vector<16xi32>
      %rem3A_1271 = vector.broadcast %jit3A_1250 : i32 to vector<16xi32>
      %rem3A_1272 = arith.remsi %broadcast_in_dim3A_1245, %rem3A_1271 : vector<16xi32>
      %ne3A_1273 = arith.constant 0 : i32
      %ne3A_1274 = vector.broadcast %ne3A_1273 : i32 to vector<16xi32>
      %ne3A_1275 = arith.cmpi ne, %rem3A_1272, %ne3A_1274 : vector<16xi32>
      %and3A_1276 = arith.andi %ne3A_1270, %ne3A_1275 : vector<16xi1>
      %sub3A_1277 = arith.constant 1 : i32
      %sub3A_1278 = vector.broadcast %sub3A_1277 : i32 to vector<16xi32>
      %sub3A_1279 = arith.subi %div3A_1252, %sub3A_1278 : vector<16xi32>
      %select_n3A_1280 = arith.select %and3A_1276, %sub3A_1279, %div3A_1252 : vector<16xi1>, vector<16xi32>
      %mul3A_1281 = arith.constant 4096 : i32
      %mul3A_1282 = vector.broadcast %mul3A_1281 : i32 to vector<16xi32>
      %mul3A_1283 = arith.muli %select_n3A_1280, %mul3A_1282 : vector<16xi32>
      %jit3A_1284 = arith.constant 128 : i32
      %eq3A_1285 = arith.constant 0 : i32
      %eq3A_1286 = arith.cmpi eq, %jit3A_1284, %eq3A_1285 : i32
      %jit3A_1287 = arith.constant 1 : i32
      %select_n3A_1288 = arith.select %eq3A_1286, %jit3A_1287, %jit3A_1284 : i32
      %rem3A_1289 = vector.broadcast %select_n3A_1288 : i32 to vector<16xi32>
      %rem3A_1290 = arith.remsi %broadcast_in_dim3A_1245, %rem3A_1289 : vector<16xi32>
      %ne3A_1291 = arith.constant 0 : i32
      %ne3A_1292 = vector.broadcast %ne3A_1291 : i32 to vector<16xi32>
      %ne3A_1293 = arith.cmpi ne, %rem3A_1290, %ne3A_1292 : vector<16xi32>
      %lt3A_1294 = arith.constant 0 : i32
      %lt3A_1295 = vector.broadcast %lt3A_1294 : i32 to vector<16xi32>
      %lt3A_1296 = arith.cmpi slt, %rem3A_1290, %lt3A_1295 : vector<16xi32>
      %lt3A_1297 = arith.constant 0 : i32
      %lt3A_1298 = arith.cmpi slt, %select_n3A_1288, %lt3A_1297 : i32
      %ne3A_1299 = vector.broadcast %lt3A_1298 : i1 to vector<16xi1>
      %ne3A_1300 = vector.broadcast %ne3A_1299 : vector<16xi1> to vector<16xi1>
      %ne3A_1301 = arith.xori %lt3A_1296, %ne3A_1300 : vector<16xi1>
      %and3A_1302 = arith.andi %ne3A_1301, %ne3A_1293 : vector<16xi1>
      %add3A_1303 = vector.broadcast %select_n3A_1288 : i32 to vector<16xi32>
      %add3A_1304 = arith.addi %rem3A_1290, %add3A_1303 : vector<16xi32>
      %select_n3A_1305 = arith.select %and3A_1302, %add3A_1304, %rem3A_1290 : vector<16xi1>, vector<16xi32>
      %add3A_1306 = arith.addi %mul3A_1283, %select_n3A_1305 : vector<16xi32>
      %mul3A_1307 = arith.constant 128 : i32
      %mul3A_1308 = vector.broadcast %mul3A_1307 : i32 to vector<16xi32>
      %mul3A_1309 = arith.muli %mul3A_1308, %add3A_1249 : vector<16xi32>
      %add3A_1310 = arith.addi %add3A_1306, %mul3A_1309 : vector<16xi32>
      %mul3A_1311 = arith.constant 768 : i32
      %mul3A_1312 = vector.broadcast %mul3A_1311 : i32 to vector<16xi32>
      %mul3A_1313 = arith.muli %add3A_1310, %mul3A_1312 : vector<16xi32>
      %add3A_1314 = vector.broadcast %add3A_59 : i32 to vector<16xi32>
      %add3A_1315 = arith.addi %add3A_1314, %mul3A_1313 : vector<16xi32>
      %mul3A_1316 = arith.constant 256 : i32
      %mul3A_1317 = arith.muli %scan3A_25, %mul3A_1316 : i32
      %add3A_1318 = arith.constant 240 : i32
      %add3A_1319 = arith.addi %mul3A_1317, %add3A_1318 : i32
      %swap3A_1320 = arith.index_cast %add3A_1319 : i32 to index
      %swap3A_1321 = tpu.vector_load %arg6[%swap3A_1320] {strides = array<i32>} : memref<24576xi32, #tpu.memory_space<vmem>>, vector<16xi32>,
      tpu.vector_store %arg6[%swap3A_1320], %add3A_1315 {strides = array<i32>} : memref<24576xi32, #tpu.memory_space<vmem>>, vector<16xi32>,
    }
    %scan3A_9 = arith.constant 96 : i32
    %scan3A_10 = arith.constant 0 : i32
    %scan3A_11 = arith.constant 0 : i32
    %scan3A_12 = arith.constant 96 : i32
    %scan3A_13 = arith.addi %scan3A_11, %scan3A_12 : i32
    %scan3A_14 = arith.constant 1 : i32
    scf.for %scan3A_25 = %scan3A_11 to %scan3A_13 step %scan3A_14  : i32 {
      %mul3A_26 = arith.constant 256 : i32
      %mul3A_27 = arith.muli %scan3A_25, %mul3A_26 : i32
      %add3A_28 = arith.constant 0 : i32
      %add3A_29 = arith.addi %mul3A_27, %add3A_28 : i32
      %dma_start3A = tpu.memref_slice %arg7[%add3A_29] : memref<24576xf32, #tpu.memory_space<vmem>> -> memref<128xf32, #tpu.memory_space<vmem>>
      %dma_start3A_30 = tpu.memref_slice %arg6[%add3A_29] : memref<24576xi32, #tpu.memory_space<vmem>> -> memref<128xi32, #tpu.memory_space<vmem>>
      %dma_start3A_31 = arith.constant 0 : i32
      %dma_start3A_32 = tpu.memref_slice %arg2[%dma_start3A_31] : memref<25165824xf32, #tpu.memory_space<hbm>> -> memref<25165824xf32, #tpu.memory_space<hbm>>
      tpu.enqueue_indirect_dma source(%dma_start3A_32 : memref<25165824xf32, #tpu.memory_space<hbm>>) target(%dma_start3A : memref<128xf32, #tpu.memory_space<vmem>>) offsets(%dma_start3A_30 : memref<128xi32, #tpu.memory_space<vmem>>) semaphore(%arg9 : memref<!tpu.dma_semaphore, #tpu.memory_space<semaphore_mem>>)
      %mul3A_33 = arith.constant 256 : i32
      %mul3A_34 = arith.muli %scan3A_25, %mul3A_33 : i32
      %add3A_35 = arith.constant 128 : i32
      %add3A_36 = arith.addi %mul3A_34, %add3A_35 : i32
      %dma_start3A_37 = tpu.memref_slice %arg7[%add3A_36] : memref<24576xf32, #tpu.memory_space<vmem>> -> memref<128xf32, #tpu.memory_space<vmem>>
      %dma_start3A_38 = tpu.memref_slice %arg6[%add3A_36] : memref<24576xi32, #tpu.memory_space<vmem>> -> memref<128xi32, #tpu.memory_space<vmem>>
      %dma_start3A_39 = arith.constant 0 : i32
      %dma_start3A_40 = tpu.memref_slice %arg2[%dma_start3A_39] : memref<25165824xf32, #tpu.memory_space<hbm>> -> memref<25165824xf32, #tpu.memory_space<hbm>>
      tpu.enqueue_indirect_dma source(%dma_start3A_40 : memref<25165824xf32, #tpu.memory_space<hbm>>) target(%dma_start3A_37 : memref<128xf32, #tpu.memory_space<vmem>>) offsets(%dma_start3A_38 : memref<128xi32, #tpu.memory_space<vmem>>) semaphore(%arg9 : memref<!tpu.dma_semaphore, #tpu.memory_space<semaphore_mem>>)
    }
    %scan3A_15 = arith.constant 96 : i32
    %dma_wait3A = arith.constant 0 : i32
    %dma_wait3A_16 = tpu.memref_slice %arg2[%dma_wait3A] : memref<25165824xf32, #tpu.memory_space<hbm>> -> memref<24576xf32, #tpu.memory_space<hbm>>
    %dma_wait3A_17 = arith.constant 0 : i32
    %dma_wait3A_18 = tpu.memref_slice %arg2[%dma_wait3A_17] : memref<25165824xf32, #tpu.memory_space<hbm>> -> memref<24576xf32, #tpu.memory_space<hbm>>
    tpu.wait_dma2 semaphore(%arg9 : memref<!tpu.dma_semaphore, #tpu.memory_space<semaphore_mem>>) src(%dma_wait3A_18 : memref<24576xf32, #tpu.memory_space<hbm>>) dst(%arg7 : memref<24576xf32, #tpu.memory_space<vmem>>)
    %scan3A_19 = arith.constant 0 : i32
    %scan3A_20 = arith.constant 0 : i32
    %scan3A_21 = arith.constant 96 : i32
    %scan3A_22 = arith.addi %scan3A_20, %scan3A_21 : i32
    %scan3A_23 = arith.constant 1 : i32
    scf.for %scan3A_25 = %scan3A_20 to %scan3A_22 step %scan3A_23  : i32 {
      %mul3A_26 = arith.constant 256 : i32
      %mul3A_27 = arith.muli %scan3A_25, %mul3A_26 : i32
      %add3A_28 = arith.constant 0 : i32
      %add3A_29 = arith.addi %mul3A_27, %add3A_28 : i32
      %get3A = arith.index_cast %add3A_29 : i32 to index
      %get3A_30 = tpu.vector_load %arg7[%get3A] {strides = array<i32>} : memref<24576xf32, #tpu.memory_space<vmem>>, vector<16xf32>,
      %masked_sort3A = arith.constant dense<true> : vector<16xi1>
      %masked_sort3A_31, %masked_sort3A_32, %masked_sort3A_33 = tpu.sort %get3A_30, %get3A_30 masked %masked_sort3A {descending = true} : (vector<16xf32>, vector<16xf32>, vector<16xi1>) -> (vector<16xi1>, vector<16xf32>, vector<16xf32>)
      %add3A_34 = arith.constant 16 : i32
      %add3A_35 = arith.addi %mul3A_27, %add3A_34 : i32
      %get3A_36 = arith.index_cast %add3A_35 : i32 to index
      %get3A_37 = tpu.vector_load %arg7[%get3A_36] {strides = array<i32>} : memref<24576xf32, #tpu.memory_space<vmem>>, vector<16xf32>,
      %masked_sort3A_38 = arith.constant dense<true> : vector<16xi1>
      %masked_sort3A_39, %masked_sort3A_40, %masked_sort3A_41 = tpu.sort %get3A_37, %get3A_37 masked %masked_sort3A_38 : (vector<16xf32>, vector<16xf32>, vector<16xi1>) -> (vector<16xi1>, vector<16xf32>, vector<16xf32>)
      %add3A_42 = arith.constant 32 : i32
      %add3A_43 = arith.addi %mul3A_27, %add3A_42 : i32
      %get3A_44 = arith.index_cast %add3A_43 : i32 to index
      %get3A_45 = tpu.vector_load %arg7[%get3A_44] {strides = array<i32>} : memref<24576xf32, #tpu.memory_space<vmem>>, vector<16xf32>,
      %masked_sort3A_46 = arith.constant dense<true> : vector<16xi1>
      %masked_sort3A_47, %masked_sort3A_48, %masked_sort3A_49 = tpu.sort %get3A_45, %get3A_45 masked %masked_sort3A_46 {descending = true} : (vector<16xf32>, vector<16xf32>, vector<16xi1>) -> (vector<16xi1>, vector<16xf32>, vector<16xf32>)
      %add3A_50 = arith.constant 48 : i32
      %add3A_51 = arith.addi %mul3A_27, %add3A_50 : i32
      %get3A_52 = arith.index_cast %add3A_51 : i32 to index
      %get3A_53 = tpu.vector_load %arg7[%get3A_52] {strides = array<i32>} : memref<24576xf32, #tpu.memory_space<vmem>>, vector<16xf32>,
      %masked_sort3A_54 = arith.constant dense<true> : vector<16xi1>
      %masked_sort3A_55, %masked_sort3A_56, %masked_sort3A_57 = tpu.sort %get3A_53, %get3A_53 masked %masked_sort3A_54 : (vector<16xf32>, vector<16xf32>, vector<16xi1>) -> (vector<16xi1>, vector<16xf32>, vector<16xf32>)
      %add3A_58 = arith.constant 64 : i32
      %add3A_59 = arith.addi %mul3A_27, %add3A_58 : i32
      %get3A_60 = arith.index_cast %add3A_59 : i32 to index
      %get3A_61 = tpu.vector_load %arg7[%get3A_60] {strides = array<i32>} : memref<24576xf32, #tpu.memory_space<vmem>>, vector<16xf32>,
      %masked_sort3A_62 = arith.constant dense<true> : vector<16xi1>
      %masked_sort3A_63, %masked_sort3A_64, %masked_sort3A_65 = tpu.sort %get3A_61, %get3A_61 masked %masked_sort3A_62 {descending = true} : (vector<16xf32>, vector<16xf32>, vector<16xi1>) -> (vector<16xi1>, vector<16xf32>, vector<16xf32>)
      %add3A_66 = arith.constant 80 : i32
      %add3A_67 = arith.addi %mul3A_27, %add3A_66 : i32
      %get3A_68 = arith.index_cast %add3A_67 : i32 to index
      %get3A_69 = tpu.vector_load %arg7[%get3A_68] {strides = array<i32>} : memref<24576xf32, #tpu.memory_space<vmem>>, vector<16xf32>,
      %masked_sort3A_70 = arith.constant dense<true> : vector<16xi1>
      %masked_sort3A_71, %masked_sort3A_72, %masked_sort3A_73 = tpu.sort %get3A_69, %get3A_69 masked %masked_sort3A_70 : (vector<16xf32>, vector<16xf32>, vector<16xi1>) -> (vector<16xi1>, vector<16xf32>, vector<16xf32>)
      %add3A_74 = arith.constant 96 : i32
      %add3A_75 = arith.addi %mul3A_27, %add3A_74 : i32
      %get3A_76 = arith.index_cast %add3A_75 : i32 to index
      %get3A_77 = tpu.vector_load %arg7[%get3A_76] {strides = array<i32>} : memref<24576xf32, #tpu.memory_space<vmem>>, vector<16xf32>,
      %masked_sort3A_78 = arith.constant dense<true> : vector<16xi1>
      %masked_sort3A_79, %masked_sort3A_80, %masked_sort3A_81 = tpu.sort %get3A_77, %get3A_77 masked %masked_sort3A_78 {descending = true} : (vector<16xf32>, vector<16xf32>, vector<16xi1>) -> (vector<16xi1>, vector<16xf32>, vector<16xf32>)
      %add3A_82 = arith.constant 112 : i32
      %add3A_83 = arith.addi %mul3A_27, %add3A_82 : i32
      %get3A_84 = arith.index_cast %add3A_83 : i32 to index
      %get3A_85 = tpu.vector_load %arg7[%get3A_84] {strides = array<i32>} : memref<24576xf32, #tpu.memory_space<vmem>>, vector<16xf32>,
      %masked_sort3A_86 = arith.constant dense<true> : vector<16xi1>
      %masked_sort3A_87, %masked_sort3A_88, %masked_sort3A_89 = tpu.sort %get3A_85, %get3A_85 masked %masked_sort3A_86 : (vector<16xf32>, vector<16xf32>, vector<16xi1>) -> (vector<16xi1>, vector<16xf32>, vector<16xf32>)
      %add3A_90 = arith.constant 128 : i32
      %add3A_91 = arith.addi %mul3A_27, %add3A_90 : i32
      %get3A_92 = arith.index_cast %add3A_91 : i32 to index
      %get3A_93 = tpu.vector_load %arg7[%get3A_92] {strides = array<i32>} : memref<24576xf32, #tpu.memory_space<vmem>>, vector<16xf32>,
      %masked_sort3A_94 = arith.constant dense<true> : vector<16xi1>
      %masked_sort3A_95, %masked_sort3A_96, %masked_sort3A_97 = tpu.sort %get3A_93, %get3A_93 masked %masked_sort3A_94 {descending = true} : (vector<16xf32>, vector<16xf32>, vector<16xi1>) -> (vector<16xi1>, vector<16xf32>, vector<16xf32>)
      %add3A_98 = arith.constant 144 : i32
      %add3A_99 = arith.addi %mul3A_27, %add3A_98 : i32
      %get3A_100 = arith.index_cast %add3A_99 : i32 to index
      %get3A_101 = tpu.vector_load %arg7[%get3A_100] {strides = array<i32>} : memref<24576xf32, #tpu.memory_space<vmem>>, vector<16xf32>,
      %masked_sort3A_102 = arith.constant dense<true> : vector<16xi1>
      %masked_sort3A_103, %masked_sort3A_104, %masked_sort3A_105 = tpu.sort %get3A_101, %get3A_101 masked %masked_sort3A_102 : (vector<16xf32>, vector<16xf32>, vector<16xi1>) -> (vector<16xi1>, vector<16xf32>, vector<16xf32>)
      %add3A_106 = arith.constant 160 : i32
      %add3A_107 = arith.addi %mul3A_27, %add3A_106 : i32
      %get3A_108 = arith.index_cast %add3A_107 : i32 to index
      %get3A_109 = tpu.vector_load %arg7[%get3A_108] {strides = array<i32>} : memref<24576xf32, #tpu.memory_space<vmem>>, vector<16xf32>,
      %masked_sort3A_110 = arith.constant dense<true> : vector<16xi1>
      %masked_sort3A_111, %masked_sort3A_112, %masked_sort3A_113 = tpu.sort %get3A_109, %get3A_109 masked %masked_sort3A_110 {descending = true} : (vector<16xf32>, vector<16xf32>, vector<16xi1>) -> (vector<16xi1>, vector<16xf32>, vector<16xf32>)
      %add3A_114 = arith.constant 176 : i32
      %add3A_115 = arith.addi %mul3A_27, %add3A_114 : i32
      %get3A_116 = arith.index_cast %add3A_115 : i32 to index
      %get3A_117 = tpu.vector_load %arg7[%get3A_116] {strides = array<i32>} : memref<24576xf32, #tpu.memory_space<vmem>>, vector<16xf32>,
      %masked_sort3A_118 = arith.constant dense<true> : vector<16xi1>
      %masked_sort3A_119, %masked_sort3A_120, %masked_sort3A_121 = tpu.sort %get3A_117, %get3A_117 masked %masked_sort3A_118 : (vector<16xf32>, vector<16xf32>, vector<16xi1>) -> (vector<16xi1>, vector<16xf32>, vector<16xf32>)
      %add3A_122 = arith.constant 192 : i32
      %add3A_123 = arith.addi %mul3A_27, %add3A_122 : i32
      %get3A_124 = arith.index_cast %add3A_123 : i32 to index
      %get3A_125 = tpu.vector_load %arg7[%get3A_124] {strides = array<i32>} : memref<24576xf32, #tpu.memory_space<vmem>>, vector<16xf32>,
      %masked_sort3A_126 = arith.constant dense<true> : vector<16xi1>
      %masked_sort3A_127, %masked_sort3A_128, %masked_sort3A_129 = tpu.sort %get3A_125, %get3A_125 masked %masked_sort3A_126 {descending = true} : (vector<16xf32>, vector<16xf32>, vector<16xi1>) -> (vector<16xi1>, vector<16xf32>, vector<16xf32>)
      %add3A_130 = arith.constant 208 : i32
      %add3A_131 = arith.addi %mul3A_27, %add3A_130 : i32
      %get3A_132 = arith.index_cast %add3A_131 : i32 to index
      %get3A_133 = tpu.vector_load %arg7[%get3A_132] {strides = array<i32>} : memref<24576xf32, #tpu.memory_space<vmem>>, vector<16xf32>,
      %masked_sort3A_134 = arith.constant dense<true> : vector<16xi1>
      %masked_sort3A_135, %masked_sort3A_136, %masked_sort3A_137 = tpu.sort %get3A_133, %get3A_133 masked %masked_sort3A_134 : (vector<16xf32>, vector<16xf32>, vector<16xi1>) -> (vector<16xi1>, vector<16xf32>, vector<16xf32>)
      %add3A_138 = arith.constant 224 : i32
      %add3A_139 = arith.addi %mul3A_27, %add3A_138 : i32
      %get3A_140 = arith.index_cast %add3A_139 : i32 to index
      %get3A_141 = tpu.vector_load %arg7[%get3A_140] {strides = array<i32>} : memref<24576xf32, #tpu.memory_space<vmem>>, vector<16xf32>,
      %masked_sort3A_142 = arith.constant dense<true> : vector<16xi1>
      %masked_sort3A_143, %masked_sort3A_144, %masked_sort3A_145 = tpu.sort %get3A_141, %get3A_141 masked %masked_sort3A_142 {descending = true} : (vector<16xf32>, vector<16xf32>, vector<16xi1>) -> (vector<16xi1>, vector<16xf32>, vector<16xf32>)
      %add3A_146 = arith.constant 240 : i32
      %add3A_147 = arith.addi %mul3A_27, %add3A_146 : i32
      %get3A_148 = arith.index_cast %add3A_147 : i32 to index
      %get3A_149 = tpu.vector_load %arg7[%get3A_148] {strides = array<i32>} : memref<24576xf32, #tpu.memory_space<vmem>>, vector<16xf32>,
      %masked_sort3A_150 = arith.constant dense<true> : vector<16xi1>
      %masked_sort3A_151, %masked_sort3A_152, %masked_sort3A_153 = tpu.sort %get3A_149, %get3A_149 masked %masked_sort3A_150 : (vector<16xf32>, vector<16xf32>, vector<16xi1>) -> (vector<16xi1>, vector<16xf32>, vector<16xf32>)
      %max3A = arith.maximumf %masked_sort3A_32, %masked_sort3A_40 : vector<16xf32>
      %masked_sort3A_154 = arith.constant dense<true> : vector<16xi1>
      %masked_sort3A_155, %masked_sort3A_156, %masked_sort3A_157 = tpu.sort %max3A, %max3A masked %masked_sort3A_154 {descending = true} : (vector<16xf32>, vector<16xf32>, vector<16xi1>) -> (vector<16xi1>, vector<16xf32>, vector<16xf32>)
      %max3A_158 = arith.maximumf %masked_sort3A_48, %masked_sort3A_56 : vector<16xf32>
      %masked_sort3A_159 = arith.constant dense<true> : vector<16xi1>
      %masked_sort3A_160, %masked_sort3A_161, %masked_sort3A_162 = tpu.sort %max3A_158, %max3A_158 masked %masked_sort3A_159 : (vector<16xf32>, vector<16xf32>, vector<16xi1>) -> (vector<16xi1>, vector<16xf32>, vector<16xf32>)
      %max3A_163 = arith.maximumf %masked_sort3A_64, %masked_sort3A_72 : vector<16xf32>
      %masked_sort3A_164 = arith.constant dense<true> : vector<16xi1>
      %masked_sort3A_165, %masked_sort3A_166, %masked_sort3A_167 = tpu.sort %max3A_163, %max3A_163 masked %masked_sort3A_164 {descending = true} : (vector<16xf32>, vector<16xf32>, vector<16xi1>) -> (vector<16xi1>, vector<16xf32>, vector<16xf32>)
      %max3A_168 = arith.maximumf %masked_sort3A_80, %masked_sort3A_88 : vector<16xf32>
      %masked_sort3A_169 = arith.constant dense<true> : vector<16xi1>
      %masked_sort3A_170, %masked_sort3A_171, %masked_sort3A_172 = tpu.sort %max3A_168, %max3A_168 masked %masked_sort3A_169 : (vector<16xf32>, vector<16xf32>, vector<16xi1>) -> (vector<16xi1>, vector<16xf32>, vector<16xf32>)
      %max3A_173 = arith.maximumf %masked_sort3A_96, %masked_sort3A_104 : vector<16xf32>
      %masked_sort3A_174 = arith.constant dense<true> : vector<16xi1>
      %masked_sort3A_175, %masked_sort3A_176, %masked_sort3A_177 = tpu.sort %max3A_173, %max3A_173 masked %masked_sort3A_174 {descending = true} : (vector<16xf32>, vector<16xf32>, vector<16xi1>) -> (vector<16xi1>, vector<16xf32>, vector<16xf32>)
      %max3A_178 = arith.maximumf %masked_sort3A_112, %masked_sort3A_120 : vector<16xf32>
      %masked_sort3A_179 = arith.constant dense<true> : vector<16xi1>
      %masked_sort3A_180, %masked_sort3A_181, %masked_sort3A_182 = tpu.sort %max3A_178, %max3A_178 masked %masked_sort3A_179 : (vector<16xf32>, vector<16xf32>, vector<16xi1>) -> (vector<16xi1>, vector<16xf32>, vector<16xf32>)
      %max3A_183 = arith.maximumf %masked_sort3A_128, %masked_sort3A_136 : vector<16xf32>
      %masked_sort3A_184 = arith.constant dense<true> : vector<16xi1>
      %masked_sort3A_185, %masked_sort3A_186, %masked_sort3A_187 = tpu.sort %max3A_183, %max3A_183 masked %masked_sort3A_184 {descending = true} : (vector<16xf32>, vector<16xf32>, vector<16xi1>) -> (vector<16xi1>, vector<16xf32>, vector<16xf32>)
      %max3A_188 = arith.maximumf %masked_sort3A_144, %masked_sort3A_152 : vector<16xf32>
      %masked_sort3A_189 = arith.constant dense<true> : vector<16xi1>
      %masked_sort3A_190, %masked_sort3A_191, %masked_sort3A_192 = tpu.sort %max3A_188, %max3A_188 masked %masked_sort3A_189 : (vector<16xf32>, vector<16xf32>, vector<16xi1>) -> (vector<16xi1>, vector<16xf32>, vector<16xf32>)
      %max3A_193 = arith.maximumf %masked_sort3A_156, %masked_sort3A_161 : vector<16xf32>
      %masked_sort3A_194 = arith.constant dense<true> : vector<16xi1>
      %masked_sort3A_195, %masked_sort3A_196, %masked_sort3A_197 = tpu.sort %max3A_193, %max3A_193 masked %masked_sort3A_194 {descending = true} : (vector<16xf32>, vector<16xf32>, vector<16xi1>) -> (vector<16xi1>, vector<16xf32>, vector<16xf32>)
      %max3A_198 = arith.maximumf %masked_sort3A_166, %masked_sort3A_171 : vector<16xf32>
      %masked_sort3A_199 = arith.constant dense<true> : vector<16xi1>
      %masked_sort3A_200, %masked_sort3A_201, %masked_sort3A_202 = tpu.sort %max3A_198, %max3A_198 masked %masked_sort3A_199 : (vector<16xf32>, vector<16xf32>, vector<16xi1>) -> (vector<16xi1>, vector<16xf32>, vector<16xf32>)
      %max3A_203 = arith.maximumf %masked_sort3A_176, %masked_sort3A_181 : vector<16xf32>
      %masked_sort3A_204 = arith.constant dense<true> : vector<16xi1>
      %masked_sort3A_205, %masked_sort3A_206, %masked_sort3A_207 = tpu.sort %max3A_203, %max3A_203 masked %masked_sort3A_204 {descending = true} : (vector<16xf32>, vector<16xf32>, vector<16xi1>) -> (vector<16xi1>, vector<16xf32>, vector<16xf32>)
      %max3A_208 = arith.maximumf %masked_sort3A_186, %masked_sort3A_191 : vector<16xf32>
      %masked_sort3A_209 = arith.constant dense<true> : vector<16xi1>
      %masked_sort3A_210, %masked_sort3A_211, %masked_sort3A_212 = tpu.sort %max3A_208, %max3A_208 masked %masked_sort3A_209 : (vector<16xf32>, vector<16xf32>, vector<16xi1>) -> (vector<16xi1>, vector<16xf32>, vector<16xf32>)
      %max3A_213 = arith.maximumf %masked_sort3A_196, %masked_sort3A_201 : vector<16xf32>
      %masked_sort3A_214 = arith.constant dense<true> : vector<16xi1>
      %masked_sort3A_215, %masked_sort3A_216, %masked_sort3A_217 = tpu.sort %max3A_213, %max3A_213 masked %masked_sort3A_214 {descending = true} : (vector<16xf32>, vector<16xf32>, vector<16xi1>) -> (vector<16xi1>, vector<16xf32>, vector<16xf32>)
      %max3A_218 = arith.maximumf %masked_sort3A_206, %masked_sort3A_211 : vector<16xf32>
      %masked_sort3A_219 = arith.constant dense<true> : vector<16xi1>
      %masked_sort3A_220, %masked_sort3A_221, %masked_sort3A_222 = tpu.sort %max3A_218, %max3A_218 masked %masked_sort3A_219 : (vector<16xf32>, vector<16xf32>, vector<16xi1>) -> (vector<16xi1>, vector<16xf32>, vector<16xf32>)
      %max3A_223 = arith.maximumf %masked_sort3A_216, %masked_sort3A_221 : vector<16xf32>
      %masked_sort3A_224 = arith.constant dense<true> : vector<16xi1>
      %masked_sort3A_225, %masked_sort3A_226, %masked_sort3A_227 = tpu.sort %max3A_223, %max3A_223 masked %masked_sort3A_224 {descending = true} : (vector<16xf32>, vector<16xf32>, vector<16xi1>) -> (vector<16xi1>, vector<16xf32>, vector<16xf32>)
      %swap3A = arith.index_cast %scan3A_25 : i32 to index
      %swap3A_228 = arith.constant 0 : index
      %swap3A_229 = tpu.vector_load %arg8[%swap3A, %swap3A_228] {strides = array<i32>} : memref<96x16xf32, #tpu.memory_space<vmem>>, vector<16xf32>,
      tpu.vector_store %arg8[%swap3A, %swap3A_228], %masked_sort3A_226 {strides = array<i32>} : memref<96x16xf32, #tpu.memory_space<vmem>>, vector<16xf32>,
    }
    %scan3A_24 = arith.constant 96 : i32
    "tpu.region"() ({
      %run_scoped3A = tpu.sem_alloc : memref<!tpu.dma_semaphore, #tpu.memory_space<semaphore_mem>>
      %dma_start3A = arith.constant 0 : i32
      %dma_start3A_25 = tpu.memref_slice %arg4[%mul3A_2, %dma_start3A] : memref<3072x16xf32, #tpu.memory_space<hbm>> -> memref<96x16xf32, #tpu.memory_space<hbm>>
      %dma_start3A_26 = arith.constant 0 : i32
      %dma_start3A_27 = tpu.memref_slice %arg4[%mul3A_2, %dma_start3A_26] : memref<3072x16xf32, #tpu.memory_space<hbm>> -> memref<96x16xf32, #tpu.memory_space<hbm>>
      tpu.enqueue_dma source(%arg8 : memref<96x16xf32, #tpu.memory_space<vmem>>) target(%dma_start3A_27 : memref<96x16xf32, #tpu.memory_space<hbm>>) target_semaphore(%run_scoped3A : memref<!tpu.dma_semaphore, #tpu.memory_space<semaphore_mem>>)
      %dma_wait3A_28 = arith.constant 0 : i32
      %dma_wait3A_29 = tpu.memref_slice %arg4[%mul3A_2, %dma_wait3A_28] : memref<3072x16xf32, #tpu.memory_space<hbm>> -> memref<96x16xf32, #tpu.memory_space<hbm>>
      %dma_wait3A_30 = arith.constant 0 : i32
      %dma_wait3A_31 = tpu.memref_slice %arg4[%mul3A_2, %dma_wait3A_30] : memref<3072x16xf32, #tpu.memory_space<hbm>> -> memref<96x16xf32, #tpu.memory_space<hbm>>
      tpu.wait_dma2 semaphore(%run_scoped3A : memref<!tpu.dma_semaphore, #tpu.memory_space<semaphore_mem>>) src(%arg8 : memref<96x16xf32, #tpu.memory_space<vmem>>) dst(%dma_wait3A_31 : memref<96x16xf32, #tpu.memory_space<hbm>>)
      tpu.yield
    }) : () -> ()
    return
  }
}

module attributes {stable_mosaic.version = 14 : i64} {
  func.func @_screen_body(%arg0: i32, %arg1: i32, %arg2: memref<1x4096x768xf32, #tpu.memory_space<vmem>>, %arg3: memref<1x768x8xi32, #tpu.memory_space<vmem>>, %arg4: memref<8x768xf32, #tpu.memory_space<vmem>>, %arg5: memref<8x768xi32, #tpu.memory_space<vmem>>) attributes {dimension_semantics = [#tpu.dimension_semantics<arbitrary>, #tpu.dimension_semantics<arbitrary>], iteration_bounds = array<i64: 4, 2>, scalar_prefetch = 0 : i64, scratch_operands = 2 : i64, tpu.core_type = #tpu.core_type<tc>, window_params = [{transform_indices = @transform_0, window_bounds = array<i64: 1, 4096, 768>}, {transform_indices = @transform_1, window_bounds = array<i64: 1, 768, 8>}]} {
    %eq3A = arith.constant 0 : i32
    %eq3A_0 = arith.cmpi eq, %arg1, %eq3A : i32
    %convert_element_type3A = arith.extui %eq3A_0 : i1 to i32
    %cond3A = arith.constant 0 : i32
    %cond3A_1 = arith.cmpi ne, %convert_element_type3A, %cond3A : i32
    scf.if %cond3A_1 {
      %broadcast_in_dim3A_216 = arith.constant 0xFF800000 : f32
      %broadcast_in_dim3A_217 = vector.broadcast %broadcast_in_dim3A_216 : f32 to vector<8x768xf32>
      %swap3A_218 = arith.constant 0 : index
      %swap3A_219 = arith.constant 0 : index
      %swap3A_220 = vector.load %arg4[%swap3A_218, %swap3A_219] : memref<8x768xf32, #tpu.memory_space<vmem>>, vector<8x768xf32>
      tpu.vector_store %arg4[%swap3A_218, %swap3A_219], %broadcast_in_dim3A_217 {strides = array<i32>} : memref<8x768xf32, #tpu.memory_space<vmem>>, vector<8x768xf32>,
      %broadcast_in_dim3A_221 = arith.constant 0 : i32
      %broadcast_in_dim3A_222 = vector.broadcast %broadcast_in_dim3A_221 : i32 to vector<8x768xi32>
      %swap3A_223 = arith.constant 0 : index
      %swap3A_224 = arith.constant 0 : index
      %swap3A_225 = vector.load %arg5[%swap3A_223, %swap3A_224] : memref<8x768xi32, #tpu.memory_space<vmem>>, vector<8x768xi32>
      tpu.vector_store %arg5[%swap3A_223, %swap3A_224], %broadcast_in_dim3A_222 {strides = array<i32>} : memref<8x768xi32, #tpu.memory_space<vmem>>, vector<8x768xi32>,
    } else {
    }
    %get3A = arith.constant 0 : index
    %get3A_2 = arith.constant 0 : index
    %get3A_3 = arith.constant 0 : index
    %get3A_4 = vector.load %arg2[%get3A, %get3A_2, %get3A_3] : memref<1x4096x768xf32, #tpu.memory_space<vmem>>, vector<1x4096x768xf32>
    %get3A_5 = vector.shape_cast %get3A_4 : vector<1x4096x768xf32> to vector<4096x768xf32>
    %slice3A = vector.extract_strided_slice %get3A_5 {offsets = [0, 0], sizes = [2048, 768], strides = [1, 1]} : vector<4096x768xf32> to vector<2048x768xf32>
    %slice3A_6 = vector.extract_strided_slice %get3A_5 {offsets = [2048, 0], sizes = [2048, 768], strides = [1, 1]} : vector<4096x768xf32> to vector<2048x768xf32>
    %max3A = arith.maximumf %slice3A, %slice3A_6 : vector<2048x768xf32>
    %slice3A_7 = vector.extract_strided_slice %max3A {offsets = [0, 0], sizes = [1024, 768], strides = [1, 1]} : vector<2048x768xf32> to vector<1024x768xf32>
    %slice3A_8 = vector.extract_strided_slice %max3A {offsets = [1024, 0], sizes = [1024, 768], strides = [1, 1]} : vector<2048x768xf32> to vector<1024x768xf32>
    %max3A_9 = arith.maximumf %slice3A_7, %slice3A_8 : vector<1024x768xf32>
    %slice3A_10 = vector.extract_strided_slice %max3A_9 {offsets = [0, 0], sizes = [512, 768], strides = [1, 1]} : vector<1024x768xf32> to vector<512x768xf32>
    %slice3A_11 = vector.extract_strided_slice %max3A_9 {offsets = [512, 0], sizes = [512, 768], strides = [1, 1]} : vector<1024x768xf32> to vector<512x768xf32>
    %max3A_12 = arith.maximumf %slice3A_10, %slice3A_11 : vector<512x768xf32>
    %slice3A_13 = vector.extract_strided_slice %max3A_12 {offsets = [0, 0], sizes = [256, 768], strides = [1, 1]} : vector<512x768xf32> to vector<256x768xf32>
    %slice3A_14 = vector.extract_strided_slice %max3A_12 {offsets = [256, 0], sizes = [256, 768], strides = [1, 1]} : vector<512x768xf32> to vector<256x768xf32>
    %max3A_15 = arith.maximumf %slice3A_13, %slice3A_14 : vector<256x768xf32>
    %slice3A_16 = vector.extract_strided_slice %max3A_15 {offsets = [0, 0], sizes = [128, 768], strides = [1, 1]} : vector<256x768xf32> to vector<128x768xf32>
    %slice3A_17 = vector.extract_strided_slice %max3A_15 {offsets = [128, 0], sizes = [128, 768], strides = [1, 1]} : vector<256x768xf32> to vector<128x768xf32>
    %max3A_18 = arith.maximumf %slice3A_16, %slice3A_17 : vector<128x768xf32>
    %mul3A = arith.constant 128 : i32
    %mul3A_19 = arith.muli %arg1, %mul3A : i32
    %iota3A = tpu.iota {dimensions = array<i32: 0>} : vector<128x768xi32>
    %add3A = vector.broadcast %mul3A_19 : i32 to vector<128x768xi32>
    %add3A_20 = arith.addi %add3A, %iota3A : vector<128x768xi32>
    %get3A_21 = arith.constant 0 : index
    %get3A_22 = arith.constant 0 : index
    %get3A_23 = vector.load %arg4[%get3A_21, %get3A_22] : memref<8x768xf32, #tpu.memory_space<vmem>>, vector<8x768xf32>
    %concatenate3A = tpu.concatenate %get3A_23, %max3A_18 in 0 : vector<8x768xf32>, vector<128x768xf32> -> vector<136x768xf32>
    %get3A_24 = arith.constant 0 : index
    %get3A_25 = arith.constant 0 : index
    %get3A_26 = vector.load %arg5[%get3A_24, %get3A_25] : memref<8x768xi32, #tpu.memory_space<vmem>>, vector<8x768xi32>
    %concatenate3A_27 = tpu.concatenate %get3A_26, %add3A_20 in 0 : vector<8x768xi32>, vector<128x768xi32> -> vector<136x768xi32>
    %iota3A_28 = tpu.iota {dimensions = array<i32: 0>} : vector<136x768xi32>
    %reduce_max3A = arith.constant dense<0xFF800000> : vector<768xf32>
    %reduce_max3A_29 = vector.multi_reduction <maximumf>, %concatenate3A, %reduce_max3A [0] : vector<136x768xf32> to vector<768xf32>
    %broadcast_in_dim3A = vector.shape_cast %reduce_max3A_29 : vector<768xf32> to vector<1x768xf32>
    %eq3A_30 = vector.broadcast %broadcast_in_dim3A : vector<1x768xf32> to vector<136x768xf32>
    %eq3A_31 = arith.cmpf oeq, %concatenate3A, %eq3A_30 : vector<136x768xf32>
    %jit3A = arith.constant 136 : i32
    %broadcast_in_dim3A_32 = vector.broadcast %jit3A : i32 to vector<136x768xi32>
    %select_n3A = arith.select %eq3A_31, %iota3A_28, %broadcast_in_dim3A_32 : vector<136x768xi1>, vector<136x768xi32>
    %reduce_min3A = arith.constant dense<2147483647> : vector<768xi32>
    %reduce_min3A_33 = vector.multi_reduction <minsi>, %select_n3A, %reduce_min3A [0] : vector<136x768xi32> to vector<768xi32>
    %broadcast_in_dim3A_34 = vector.shape_cast %reduce_min3A_33 : vector<768xi32> to vector<1x768xi32>
    %eq3A_35 = vector.broadcast %broadcast_in_dim3A_34 : vector<1x768xi32> to vector<136x768xi32>
    %eq3A_36 = arith.cmpi eq, %iota3A_28, %eq3A_35 : vector<136x768xi32>
    %jit3A_37 = arith.constant -1 : i32
    %broadcast_in_dim3A_38 = vector.broadcast %jit3A_37 : i32 to vector<136x768xi32>
    %select_n3A_39 = arith.select %eq3A_36, %concatenate3A_27, %broadcast_in_dim3A_38 : vector<136x768xi1>, vector<136x768xi32>
    %reduce_max3A_40 = arith.constant dense<-2147483648> : vector<768xi32>
    %reduce_max3A_41 = vector.multi_reduction <maxsi>, %select_n3A_39, %reduce_max3A_40 [0] : vector<136x768xi32> to vector<768xi32>
    %jit3A_42 = arith.constant 0xFF800000 : f32
    %broadcast_in_dim3A_43 = vector.broadcast %jit3A_42 : f32 to vector<136x768xf32>
    %select_n3A_44 = arith.select %eq3A_36, %broadcast_in_dim3A_43, %concatenate3A : vector<136x768xi1>, vector<136x768xf32>
    %reduce_max3A_45 = arith.constant dense<0xFF800000> : vector<768xf32>
    %reduce_max3A_46 = vector.multi_reduction <maximumf>, %select_n3A_44, %reduce_max3A_45 [0] : vector<136x768xf32> to vector<768xf32>
    %broadcast_in_dim3A_47 = vector.shape_cast %reduce_max3A_46 : vector<768xf32> to vector<1x768xf32>
    %eq3A_48 = vector.broadcast %broadcast_in_dim3A_47 : vector<1x768xf32> to vector<136x768xf32>
    %eq3A_49 = arith.cmpf oeq, %select_n3A_44, %eq3A_48 : vector<136x768xf32>
    %jit3A_50 = arith.constant 136 : i32
    %broadcast_in_dim3A_51 = vector.broadcast %jit3A_50 : i32 to vector<136x768xi32>
    %select_n3A_52 = arith.select %eq3A_49, %iota3A_28, %broadcast_in_dim3A_51 : vector<136x768xi1>, vector<136x768xi32>
    %reduce_min3A_53 = arith.constant dense<2147483647> : vector<768xi32>
    %reduce_min3A_54 = vector.multi_reduction <minsi>, %select_n3A_52, %reduce_min3A_53 [0] : vector<136x768xi32> to vector<768xi32>
    %broadcast_in_dim3A_55 = vector.shape_cast %reduce_min3A_54 : vector<768xi32> to vector<1x768xi32>
    %eq3A_56 = vector.broadcast %broadcast_in_dim3A_55 : vector<1x768xi32> to vector<136x768xi32>
    %eq3A_57 = arith.cmpi eq, %iota3A_28, %eq3A_56 : vector<136x768xi32>
    %jit3A_58 = arith.constant -1 : i32
    %broadcast_in_dim3A_59 = vector.broadcast %jit3A_58 : i32 to vector<136x768xi32>
    %select_n3A_60 = arith.select %eq3A_57, %concatenate3A_27, %broadcast_in_dim3A_59 : vector<136x768xi1>, vector<136x768xi32>
    %reduce_max3A_61 = arith.constant dense<-2147483648> : vector<768xi32>
    %reduce_max3A_62 = vector.multi_reduction <maxsi>, %select_n3A_60, %reduce_max3A_61 [0] : vector<136x768xi32> to vector<768xi32>
    %jit3A_63 = arith.constant 0xFF800000 : f32
    %broadcast_in_dim3A_64 = vector.broadcast %jit3A_63 : f32 to vector<136x768xf32>
    %select_n3A_65 = arith.select %eq3A_57, %broadcast_in_dim3A_64, %select_n3A_44 : vector<136x768xi1>, vector<136x768xf32>
    %reduce_max3A_66 = arith.constant dense<0xFF800000> : vector<768xf32>
    %reduce_max3A_67 = vector.multi_reduction <maximumf>, %select_n3A_65, %reduce_max3A_66 [0] : vector<136x768xf32> to vector<768xf32>
    %broadcast_in_dim3A_68 = vector.shape_cast %reduce_max3A_67 : vector<768xf32> to vector<1x768xf32>
    %eq3A_69 = vector.broadcast %broadcast_in_dim3A_68 : vector<1x768xf32> to vector<136x768xf32>
    %eq3A_70 = arith.cmpf oeq, %select_n3A_65, %eq3A_69 : vector<136x768xf32>
    %jit3A_71 = arith.constant 136 : i32
    %broadcast_in_dim3A_72 = vector.broadcast %jit3A_71 : i32 to vector<136x768xi32>
    %select_n3A_73 = arith.select %eq3A_70, %iota3A_28, %broadcast_in_dim3A_72 : vector<136x768xi1>, vector<136x768xi32>
    %reduce_min3A_74 = arith.constant dense<2147483647> : vector<768xi32>
    %reduce_min3A_75 = vector.multi_reduction <minsi>, %select_n3A_73, %reduce_min3A_74 [0] : vector<136x768xi32> to vector<768xi32>
    %broadcast_in_dim3A_76 = vector.shape_cast %reduce_min3A_75 : vector<768xi32> to vector<1x768xi32>
    %eq3A_77 = vector.broadcast %broadcast_in_dim3A_76 : vector<1x768xi32> to vector<136x768xi32>
    %eq3A_78 = arith.cmpi eq, %iota3A_28, %eq3A_77 : vector<136x768xi32>
    %jit3A_79 = arith.constant -1 : i32
    %broadcast_in_dim3A_80 = vector.broadcast %jit3A_79 : i32 to vector<136x768xi32>
    %select_n3A_81 = arith.select %eq3A_78, %concatenate3A_27, %broadcast_in_dim3A_80 : vector<136x768xi1>, vector<136x768xi32>
    %reduce_max3A_82 = arith.constant dense<-2147483648> : vector<768xi32>
    %reduce_max3A_83 = vector.multi_reduction <maxsi>, %select_n3A_81, %reduce_max3A_82 [0] : vector<136x768xi32> to vector<768xi32>
    %jit3A_84 = arith.constant 0xFF800000 : f32
    %broadcast_in_dim3A_85 = vector.broadcast %jit3A_84 : f32 to vector<136x768xf32>
    %select_n3A_86 = arith.select %eq3A_78, %broadcast_in_dim3A_85, %select_n3A_65 : vector<136x768xi1>, vector<136x768xf32>
    %reduce_max3A_87 = arith.constant dense<0xFF800000> : vector<768xf32>
    %reduce_max3A_88 = vector.multi_reduction <maximumf>, %select_n3A_86, %reduce_max3A_87 [0] : vector<136x768xf32> to vector<768xf32>
    %broadcast_in_dim3A_89 = vector.shape_cast %reduce_max3A_88 : vector<768xf32> to vector<1x768xf32>
    %eq3A_90 = vector.broadcast %broadcast_in_dim3A_89 : vector<1x768xf32> to vector<136x768xf32>
    %eq3A_91 = arith.cmpf oeq, %select_n3A_86, %eq3A_90 : vector<136x768xf32>
    %jit3A_92 = arith.constant 136 : i32
    %broadcast_in_dim3A_93 = vector.broadcast %jit3A_92 : i32 to vector<136x768xi32>
    %select_n3A_94 = arith.select %eq3A_91, %iota3A_28, %broadcast_in_dim3A_93 : vector<136x768xi1>, vector<136x768xi32>
    %reduce_min3A_95 = arith.constant dense<2147483647> : vector<768xi32>
    %reduce_min3A_96 = vector.multi_reduction <minsi>, %select_n3A_94, %reduce_min3A_95 [0] : vector<136x768xi32> to vector<768xi32>
    %broadcast_in_dim3A_97 = vector.shape_cast %reduce_min3A_96 : vector<768xi32> to vector<1x768xi32>
    %eq3A_98 = vector.broadcast %broadcast_in_dim3A_97 : vector<1x768xi32> to vector<136x768xi32>
    %eq3A_99 = arith.cmpi eq, %iota3A_28, %eq3A_98 : vector<136x768xi32>
    %jit3A_100 = arith.constant -1 : i32
    %broadcast_in_dim3A_101 = vector.broadcast %jit3A_100 : i32 to vector<136x768xi32>
    %select_n3A_102 = arith.select %eq3A_99, %concatenate3A_27, %broadcast_in_dim3A_101 : vector<136x768xi1>, vector<136x768xi32>
    %reduce_max3A_103 = arith.constant dense<-2147483648> : vector<768xi32>
    %reduce_max3A_104 = vector.multi_reduction <maxsi>, %select_n3A_102, %reduce_max3A_103 [0] : vector<136x768xi32> to vector<768xi32>
    %jit3A_105 = arith.constant 0xFF800000 : f32
    %broadcast_in_dim3A_106 = vector.broadcast %jit3A_105 : f32 to vector<136x768xf32>
    %select_n3A_107 = arith.select %eq3A_99, %broadcast_in_dim3A_106, %select_n3A_86 : vector<136x768xi1>, vector<136x768xf32>
    %reduce_max3A_108 = arith.constant dense<0xFF800000> : vector<768xf32>
    %reduce_max3A_109 = vector.multi_reduction <maximumf>, %select_n3A_107, %reduce_max3A_108 [0] : vector<136x768xf32> to vector<768xf32>
    %broadcast_in_dim3A_110 = vector.shape_cast %reduce_max3A_109 : vector<768xf32> to vector<1x768xf32>
    %eq3A_111 = vector.broadcast %broadcast_in_dim3A_110 : vector<1x768xf32> to vector<136x768xf32>
    %eq3A_112 = arith.cmpf oeq, %select_n3A_107, %eq3A_111 : vector<136x768xf32>
    %jit3A_113 = arith.constant 136 : i32
    %broadcast_in_dim3A_114 = vector.broadcast %jit3A_113 : i32 to vector<136x768xi32>
    %select_n3A_115 = arith.select %eq3A_112, %iota3A_28, %broadcast_in_dim3A_114 : vector<136x768xi1>, vector<136x768xi32>
    %reduce_min3A_116 = arith.constant dense<2147483647> : vector<768xi32>
    %reduce_min3A_117 = vector.multi_reduction <minsi>, %select_n3A_115, %reduce_min3A_116 [0] : vector<136x768xi32> to vector<768xi32>
    %broadcast_in_dim3A_118 = vector.shape_cast %reduce_min3A_117 : vector<768xi32> to vector<1x768xi32>
    %eq3A_119 = vector.broadcast %broadcast_in_dim3A_118 : vector<1x768xi32> to vector<136x768xi32>
    %eq3A_120 = arith.cmpi eq, %iota3A_28, %eq3A_119 : vector<136x768xi32>
    %jit3A_121 = arith.constant -1 : i32
    %broadcast_in_dim3A_122 = vector.broadcast %jit3A_121 : i32 to vector<136x768xi32>
    %select_n3A_123 = arith.select %eq3A_120, %concatenate3A_27, %broadcast_in_dim3A_122 : vector<136x768xi1>, vector<136x768xi32>
    %reduce_max3A_124 = arith.constant dense<-2147483648> : vector<768xi32>
    %reduce_max3A_125 = vector.multi_reduction <maxsi>, %select_n3A_123, %reduce_max3A_124 [0] : vector<136x768xi32> to vector<768xi32>
    %jit3A_126 = arith.constant 0xFF800000 : f32
    %broadcast_in_dim3A_127 = vector.broadcast %jit3A_126 : f32 to vector<136x768xf32>
    %select_n3A_128 = arith.select %eq3A_120, %broadcast_in_dim3A_127, %select_n3A_107 : vector<136x768xi1>, vector<136x768xf32>
    %reduce_max3A_129 = arith.constant dense<0xFF800000> : vector<768xf32>
    %reduce_max3A_130 = vector.multi_reduction <maximumf>, %select_n3A_128, %reduce_max3A_129 [0] : vector<136x768xf32> to vector<768xf32>
    %broadcast_in_dim3A_131 = vector.shape_cast %reduce_max3A_130 : vector<768xf32> to vector<1x768xf32>
    %eq3A_132 = vector.broadcast %broadcast_in_dim3A_131 : vector<1x768xf32> to vector<136x768xf32>
    %eq3A_133 = arith.cmpf oeq, %select_n3A_128, %eq3A_132 : vector<136x768xf32>
    %jit3A_134 = arith.constant 136 : i32
    %broadcast_in_dim3A_135 = vector.broadcast %jit3A_134 : i32 to vector<136x768xi32>
    %select_n3A_136 = arith.select %eq3A_133, %iota3A_28, %broadcast_in_dim3A_135 : vector<136x768xi1>, vector<136x768xi32>
    %reduce_min3A_137 = arith.constant dense<2147483647> : vector<768xi32>
    %reduce_min3A_138 = vector.multi_reduction <minsi>, %select_n3A_136, %reduce_min3A_137 [0] : vector<136x768xi32> to vector<768xi32>
    %broadcast_in_dim3A_139 = vector.shape_cast %reduce_min3A_138 : vector<768xi32> to vector<1x768xi32>
    %eq3A_140 = vector.broadcast %broadcast_in_dim3A_139 : vector<1x768xi32> to vector<136x768xi32>
    %eq3A_141 = arith.cmpi eq, %iota3A_28, %eq3A_140 : vector<136x768xi32>
    %jit3A_142 = arith.constant -1 : i32
    %broadcast_in_dim3A_143 = vector.broadcast %jit3A_142 : i32 to vector<136x768xi32>
    %select_n3A_144 = arith.select %eq3A_141, %concatenate3A_27, %broadcast_in_dim3A_143 : vector<136x768xi1>, vector<136x768xi32>
    %reduce_max3A_145 = arith.constant dense<-2147483648> : vector<768xi32>
    %reduce_max3A_146 = vector.multi_reduction <maxsi>, %select_n3A_144, %reduce_max3A_145 [0] : vector<136x768xi32> to vector<768xi32>
    %jit3A_147 = arith.constant 0xFF800000 : f32
    %broadcast_in_dim3A_148 = vector.broadcast %jit3A_147 : f32 to vector<136x768xf32>
    %select_n3A_149 = arith.select %eq3A_141, %broadcast_in_dim3A_148, %select_n3A_128 : vector<136x768xi1>, vector<136x768xf32>
    %reduce_max3A_150 = arith.constant dense<0xFF800000> : vector<768xf32>
    %reduce_max3A_151 = vector.multi_reduction <maximumf>, %select_n3A_149, %reduce_max3A_150 [0] : vector<136x768xf32> to vector<768xf32>
    %broadcast_in_dim3A_152 = vector.shape_cast %reduce_max3A_151 : vector<768xf32> to vector<1x768xf32>
    %eq3A_153 = vector.broadcast %broadcast_in_dim3A_152 : vector<1x768xf32> to vector<136x768xf32>
    %eq3A_154 = arith.cmpf oeq, %select_n3A_149, %eq3A_153 : vector<136x768xf32>
    %jit3A_155 = arith.constant 136 : i32
    %broadcast_in_dim3A_156 = vector.broadcast %jit3A_155 : i32 to vector<136x768xi32>
    %select_n3A_157 = arith.select %eq3A_154, %iota3A_28, %broadcast_in_dim3A_156 : vector<136x768xi1>, vector<136x768xi32>
    %reduce_min3A_158 = arith.constant dense<2147483647> : vector<768xi32>
    %reduce_min3A_159 = vector.multi_reduction <minsi>, %select_n3A_157, %reduce_min3A_158 [0] : vector<136x768xi32> to vector<768xi32>
    %broadcast_in_dim3A_160 = vector.shape_cast %reduce_min3A_159 : vector<768xi32> to vector<1x768xi32>
    %eq3A_161 = vector.broadcast %broadcast_in_dim3A_160 : vector<1x768xi32> to vector<136x768xi32>
    %eq3A_162 = arith.cmpi eq, %iota3A_28, %eq3A_161 : vector<136x768xi32>
    %jit3A_163 = arith.constant -1 : i32
    %broadcast_in_dim3A_164 = vector.broadcast %jit3A_163 : i32 to vector<136x768xi32>
    %select_n3A_165 = arith.select %eq3A_162, %concatenate3A_27, %broadcast_in_dim3A_164 : vector<136x768xi1>, vector<136x768xi32>
    %reduce_max3A_166 = arith.constant dense<-2147483648> : vector<768xi32>
    %reduce_max3A_167 = vector.multi_reduction <maxsi>, %select_n3A_165, %reduce_max3A_166 [0] : vector<136x768xi32> to vector<768xi32>
    %jit3A_168 = arith.constant 0xFF800000 : f32
    %broadcast_in_dim3A_169 = vector.broadcast %jit3A_168 : f32 to vector<136x768xf32>
    %select_n3A_170 = arith.select %eq3A_162, %broadcast_in_dim3A_169, %select_n3A_149 : vector<136x768xi1>, vector<136x768xf32>
    %reduce_max3A_171 = arith.constant dense<0xFF800000> : vector<768xf32>
    %reduce_max3A_172 = vector.multi_reduction <maximumf>, %select_n3A_170, %reduce_max3A_171 [0] : vector<136x768xf32> to vector<768xf32>
    %broadcast_in_dim3A_173 = vector.shape_cast %reduce_max3A_172 : vector<768xf32> to vector<1x768xf32>
    %eq3A_174 = vector.broadcast %broadcast_in_dim3A_173 : vector<1x768xf32> to vector<136x768xf32>
    %eq3A_175 = arith.cmpf oeq, %select_n3A_170, %eq3A_174 : vector<136x768xf32>
    %jit3A_176 = arith.constant 136 : i32
    %broadcast_in_dim3A_177 = vector.broadcast %jit3A_176 : i32 to vector<136x768xi32>
    %select_n3A_178 = arith.select %eq3A_175, %iota3A_28, %broadcast_in_dim3A_177 : vector<136x768xi1>, vector<136x768xi32>
    %reduce_min3A_179 = arith.constant dense<2147483647> : vector<768xi32>
    %reduce_min3A_180 = vector.multi_reduction <minsi>, %select_n3A_178, %reduce_min3A_179 [0] : vector<136x768xi32> to vector<768xi32>
    %broadcast_in_dim3A_181 = vector.shape_cast %reduce_min3A_180 : vector<768xi32> to vector<1x768xi32>
    %eq3A_182 = vector.broadcast %broadcast_in_dim3A_181 : vector<1x768xi32> to vector<136x768xi32>
    %eq3A_183 = arith.cmpi eq, %iota3A_28, %eq3A_182 : vector<136x768xi32>
    %jit3A_184 = arith.constant -1 : i32
    %broadcast_in_dim3A_185 = vector.broadcast %jit3A_184 : i32 to vector<136x768xi32>
    %select_n3A_186 = arith.select %eq3A_183, %concatenate3A_27, %broadcast_in_dim3A_185 : vector<136x768xi1>, vector<136x768xi32>
    %reduce_max3A_187 = arith.constant dense<-2147483648> : vector<768xi32>
    %reduce_max3A_188 = vector.multi_reduction <maxsi>, %select_n3A_186, %reduce_max3A_187 [0] : vector<136x768xi32> to vector<768xi32>
    %stack3A = vector.shape_cast %reduce_max3A_29 : vector<768xf32> to vector<1x768xf32>
    %stack3A_189 = vector.shape_cast %reduce_max3A_46 : vector<768xf32> to vector<1x768xf32>
    %stack3A_190 = vector.shape_cast %reduce_max3A_67 : vector<768xf32> to vector<1x768xf32>
    %stack3A_191 = vector.shape_cast %reduce_max3A_88 : vector<768xf32> to vector<1x768xf32>
    %stack3A_192 = vector.shape_cast %reduce_max3A_109 : vector<768xf32> to vector<1x768xf32>
    %stack3A_193 = vector.shape_cast %reduce_max3A_130 : vector<768xf32> to vector<1x768xf32>
    %stack3A_194 = vector.shape_cast %reduce_max3A_151 : vector<768xf32> to vector<1x768xf32>
    %stack3A_195 = vector.shape_cast %reduce_max3A_172 : vector<768xf32> to vector<1x768xf32>
    %stack3A_196 = tpu.concatenate %stack3A, %stack3A_189, %stack3A_190, %stack3A_191, %stack3A_192, %stack3A_193, %stack3A_194, %stack3A_195 in 0 : vector<1x768xf32>, vector<1x768xf32>, vector<1x768xf32>, vector<1x768xf32>, vector<1x768xf32>, vector<1x768xf32>, vector<1x768xf32>, vector<1x768xf32> -> vector<8x768xf32>
    %swap3A = arith.constant 0 : index
    %swap3A_197 = arith.constant 0 : index
    %swap3A_198 = vector.load %arg4[%swap3A, %swap3A_197] : memref<8x768xf32, #tpu.memory_space<vmem>>, vector<8x768xf32>
    tpu.vector_store %arg4[%swap3A, %swap3A_197], %stack3A_196 {strides = array<i32>} : memref<8x768xf32, #tpu.memory_space<vmem>>, vector<8x768xf32>,
    %stack3A_199 = vector.shape_cast %reduce_max3A_41 : vector<768xi32> to vector<1x768xi32>
    %stack3A_200 = vector.shape_cast %reduce_max3A_62 : vector<768xi32> to vector<1x768xi32>
    %stack3A_201 = vector.shape_cast %reduce_max3A_83 : vector<768xi32> to vector<1x768xi32>
    %stack3A_202 = vector.shape_cast %reduce_max3A_104 : vector<768xi32> to vector<1x768xi32>
    %stack3A_203 = vector.shape_cast %reduce_max3A_125 : vector<768xi32> to vector<1x768xi32>
    %stack3A_204 = vector.shape_cast %reduce_max3A_146 : vector<768xi32> to vector<1x768xi32>
    %stack3A_205 = vector.shape_cast %reduce_max3A_167 : vector<768xi32> to vector<1x768xi32>
    %stack3A_206 = vector.shape_cast %reduce_max3A_188 : vector<768xi32> to vector<1x768xi32>
    %stack3A_207 = tpu.concatenate %stack3A_199, %stack3A_200, %stack3A_201, %stack3A_202, %stack3A_203, %stack3A_204, %stack3A_205, %stack3A_206 in 0 : vector<1x768xi32>, vector<1x768xi32>, vector<1x768xi32>, vector<1x768xi32>, vector<1x768xi32>, vector<1x768xi32>, vector<1x768xi32>, vector<1x768xi32> -> vector<8x768xi32>
    %swap3A_208 = arith.constant 0 : index
    %swap3A_209 = arith.constant 0 : index
    %swap3A_210 = vector.load %arg5[%swap3A_208, %swap3A_209] : memref<8x768xi32, #tpu.memory_space<vmem>>, vector<8x768xi32>
    tpu.vector_store %arg5[%swap3A_208, %swap3A_209], %stack3A_207 {strides = array<i32>} : memref<8x768xi32, #tpu.memory_space<vmem>>, vector<8x768xi32>,
    %eq3A_211 = arith.constant 1 : i32
    %eq3A_212 = arith.cmpi eq, %arg1, %eq3A_211 : i32
    %convert_element_type3A_213 = arith.extui %eq3A_212 : i1 to i32
    %cond3A_214 = arith.constant 0 : i32
    %cond3A_215 = arith.cmpi ne, %convert_element_type3A_213, %cond3A_214 : i32
    scf.if %cond3A_215 {
      %get3A_216 = arith.constant 0 : index
      %get3A_217 = arith.constant 0 : index
      %get3A_218 = vector.load %arg5[%get3A_216, %get3A_217] : memref<8x768xi32, #tpu.memory_space<vmem>>, vector<8x768xi32>
      %transpose3A = tpu.transpose %get3A_218, [1, 0] : vector<8x768xi32> -> vector<768x8xi32>
      %swap3A_219 = arith.constant 0 : index
      %swap3A_220 = arith.constant 0 : index
      %swap3A_221 = arith.constant 0 : index
      %swap3A_222 = vector.load %arg3[%swap3A_219, %swap3A_220, %swap3A_221] : memref<1x768x8xi32, #tpu.memory_space<vmem>>, vector<1x768x8xi32>
      %swap3A_223 = vector.shape_cast %swap3A_222 : vector<1x768x8xi32> to vector<768x8xi32>
      %swap3A_224 = vector.shape_cast %transpose3A : vector<768x8xi32> to vector<1x768x8xi32>
      tpu.vector_store %arg3[%swap3A_219, %swap3A_220, %swap3A_221], %swap3A_224 {strides = array<i32>} : memref<1x768x8xi32, #tpu.memory_space<vmem>>, vector<1x768x8xi32>,
    } else {
    }
    return
  }
  func.func @transform_0(%arg0: i32, %arg1: i32) -> (i32, i32, i32) {
    %c0_i32 = arith.constant 0 : i32
    %c0_i32_0 = arith.constant 0 : i32
    return %arg0, %arg1, %c0_i32 : i32, i32, i32
  }
  func.func @transform_1(%arg0: i32, %arg1: i32) -> (i32, i32, i32) {
    %c0_i32 = arith.constant 0 : i32
    %c0_i32_0 = arith.constant 0 : i32
    %c0_i32_1 = arith.constant 0 : i32
    return %arg0, %c0_i32, %c0_i32_0 : i32, i32, i32
  }
}

</mosaic_0001>

<sc_bundles>
// kernel: kernel.4.cloned.1.call-start
scs
__scs_entry_jumppad:
0x0: {  	(pc) =	sbr.rel $0x88, $3  }
0x1: {  	(tag) =	ssettag $0x0;
	lr =	simm.s32 $0x1  }
0x2: {  	[smem:$0x3FA0] =	sst lr;
	_ =	strace $0xD0000000  }
0x3: {  	_ = 	snop  }
0x4: {  	_ = 	snop  }
0x5: {  	_ = 	snop  }
0x6: {  	_ = 	snop  }
0x7: {  	_ = 	snop  }
__scs_overlays_trampoline_lowered:
0x8: {  	[smem:$0x3FAF] =	sst s0  }
0x9: {  	[smem:$0x3FB0] =	sst s1  }
0xa: {  	[smem:$0x3FB1] =	sst s2  }
0xb: {  	[smem:$0x3FB2] =	sst s3  }
0xc: {  	[smem:$0x3FB3] =	sst s4  }
0xd: {  	[smem:$0x3FB4] =	sst s5  }
0xe: {  	[smem:$0x3FB5] =	sst s6  }
0xf: {  	[smem:$0x3FB6] =	sst s7  }
0x10: {  	[smem:$0x3FB7] =	sst s8  }
0x11: {  	[smem:$0x3FB8] =	sst s9;
	s0 =	simm.s32 @!p0 $0x0  }
0x12: {  	s1 =	sld [smem:$0x3F9E];
	s0 =	simm.s32 @p0 $0x1  }
0x13: {  	[smem:$0x3FB9] =	sst s0;
	s0 =	simm.s32 @!p1 $0x0  }
0x14: {  	s2 =	sld [smem:$0x3F9D];
	s0 =	simm.s32 @p1 $0x1  }
0x15: {  	[smem:$0x3FBA] =	sst s0;
	s0 =	simm.s32 @!p2 $0x0  }
0x16: {  	s3 =	sld [smem:$0x3FDB];
	s0 =	simm.s32 @p2 $0x1  }
0x17: {  	s4 =	simm.s32 $0x1BF5;
	[smem:$0x3FBC] =	sst s0  }
0x18: {  	s0 =	sld [smem:$0x3F9F];
	_ =	swait.ge [sflag:s4], $0x0  }
0x19: {  	s7 =	sld [smem:$0x3FA0]  }
0x1a: {  	s8 =	sadd.s32 $0xFFFFE003, lr  }
0x1b: {  	s9 =	sadd.s32 $0xFFFFFEF7, lr;
	s5 =	simm.s32 $0xFFFFFFFF;
	p2 =	slt.u32 s8, $0xFFFFF086  }
0x1c: {  	p1 =	slt.u32 s9, $0xF7A;
	s5 =	simm.s32 @!p2 $0x0  }
0x1d: {  	s5 =	simm.s32 @p1 $0x1;
	p0 =	seq.s32 s7, s2  }
0x1e: {  	s7 =	smul.u32 @!p0 $0xF7A, s2;
	p2 =	seq.s32 @!p0 s5, $0x0  }
0x1f: {  	s9 =	smul.u32 $0xF7A, s1;
	s8 =	simm.s32 @!p0 $0x1BF5;
	p2 =	por !p2, p0  }
0x20: {  	[sflag:s8] =	ssyncset.s32 @!p0 $0xFFFFF086;
	s6 =	sadd.s32 @!p0 s3, s7;
	s7 =	simm.s32 @!p0 $0x108  }
0x21: {  	s3 =	sadd.s32 s3, s9;
	s6 =	sadd.s32 @!p0 $0x88, s6;
	s7 =	simm.s32 @p2 $0x1082  }
0x22: {  	[simem:s7], [sflag:s8] =	dma.local @!p0 [hbm:s6], $0xF7A  }
0x23: {  	s9 =	sor.u32 $0xD0000000, s2;
	s6 =	simm.s32 $0x108;
	_ =	swait.ge @!p0 [sflag:s8], $0x0  }
0x24: {  	s3 =	sadd.s32 $0x88, s3;
	s6 =	simm.s32 @!p1 $0x1082;
	[sflag:s4] =	ssyncset.s32 $0xFFFFF086  }
0x25: {  	[simem:s6], [sflag:s4] =	dma.local [hbm:s3], $0xF7A  }
0x26: {  	[smem:$0x3FA0] =	sst s1;
	(tag) =	ssettag s2;
	_ =	strace s9  }
0x27: {  	s1 =	sld [smem:$0x3FB0]  }
0x28: {  	s2 =	sld [smem:$0x3FB1]  }
0x29: {  	s4 =	sld [smem:$0x3FB3]  }
0x2a: {  	p0 =	seq.s32 s5, $0x0;
	s5 =	sld [smem:$0x3FB4]  }
0x2b: {  	s6 =	sld [smem:$0x3FB5]  }
0x2c: {  	s7 =	sld [smem:$0x3FB6]  }
0x2d: {  	s3 =	simm.s32 $0x108;
	s8 =	sld [smem:$0x3FB7]  }
0x2e: {  	s3 =	simm.s32 @!p0 $0x1082;
	s9 =	sld [smem:$0x3FB8]  }
0x2f: {  	lr =	sadd.s32 s0, s3;
	s0 =	sld [smem:$0x3FAF]  }
0x30: {  	s3 =	sld [smem:$0x3FB2]  }
0x31: {  	[smem:$0x3FBB] =	sst s10  }
0x32: {  	s10 =	sld [smem:$0x3FB9];
	_ =	sdelay $0x3  }
0x33: {  	p0 =	seq.s32 s10, $0x1;
	s10 =	sld [smem:$0x3FBB];
	_ =	sdelay $0x3  }
0x34: {  	[smem:$0x3FBB] =	sst s10  }
0x35: {  	s10 =	sld [smem:$0x3FBA];
	_ =	sdelay $0x3  }
0x36: {  	p1 =	seq.s32 s10, $0x1;
	s10 =	sld [smem:$0x3FBB];
	_ =	sdelay $0x3  }
0x37: {  	[smem:$0x3FBB] =	sst s10  }
0x38: {  	s10 =	sld [smem:$0x3FBC]  }
0x39: {  	_ = 	snop;
	(pc) =	sbr.ind lr, $3  }
0x3a: {  	_ = 	snop  }
0x3b: {  	_ = 	snop  }
0x3c: {  	p2 =	seq.s32 s10, $0x1;
	s10 =	sld [smem:$0x3FBB]  }
0x3d: {  	_ =	shalt  }
0x3e: {  	_ =	shalt  }
0x3f: {  	_ =	shalt  }
0x40: {  	_ =	shalt  }
0x41: {  	_ =	shalt  }
0x42: {  	_ =	shalt  }
0x43: {  	_ =	shalt  }
0x44: {  	_ =	shalt  }
0x45: {  	_ =	shalt  }
0x46: {  	_ =	shalt  }
0x47: {  	_ =	shalt  }
0x48: {  	_ =	shalt  }
0x49: {  	_ =	shalt  }
0x4a: {  	_ =	shalt  }
0x4b: {  	_ =	shalt  }
0x4c: {  	_ =	shalt  }
0x4d: {  	_ =	shalt  }
0x4e: {  	_ =	shalt  }
0x4f: {  	_ =	shalt  }
0x50: {  	_ =	shalt  }
0x51: {  	_ =	shalt  }
0x52: {  	_ =	shalt  }
0x53: {  	_ =	shalt  }
0x54: {  	_ =	shalt  }
0x55: {  	_ =	shalt  }
0x56: {  	_ =	shalt  }
0x57: {  	_ =	shalt  }
0x58: {  	_ =	shalt  }
0x59: {  	_ =	shalt  }
0x5a: {  	_ =	shalt  }
0x5b: {  	_ =	shalt  }
0x5c: {  	_ =	shalt  }
0x5d: {  	_ =	shalt  }
0x5e: {  	_ =	shalt  }
0x5f: {  	_ =	shalt  }
0x60: {  	_ =	shalt  }
0x61: {  	_ =	shalt  }
0x62: {  	_ =	shalt  }
0x63: {  	_ =	shalt  }
0x64: {  	_ =	shalt  }
0x65: {  	_ =	shalt  }
0x66: {  	_ =	shalt  }
0x67: {  	_ =	shalt  }
0x68: {  	_ =	shalt  }
0x69: {  	_ =	shalt  }
0x6a: {  	_ =	shalt  }
0x6b: {  	_ =	shalt  }
0x6c: {  	_ =	shalt  }
0x6d: {  	_ =	shalt  }
0x6e: {  	_ =	shalt  }
0x6f: {  	_ =	shalt  }
0x70: {  	_ =	shalt  }
0x71: {  	_ =	shalt  }
0x72: {  	_ =	shalt  }
0x73: {  	_ =	shalt  }
0x74: {  	_ =	shalt  }
0x75: {  	_ =	shalt  }
0x76: {  	_ =	shalt  }
0x77: {  	_ =	shalt  }
0x78: {  	_ =	shalt  }
0x79: {  	_ =	shalt  }
0x7a: {  	_ =	shalt  }
0x7b: {  	_ =	shalt  }
0x7c: {  	_ =	shalt  }
0x7d: {  	_ =	shalt  }
0x7e: {  	_ =	shalt  }
0x7f: {  	_ =	shalt  }
0x80: {  	_ =	shalt  }
0x81: {  	_ =	shalt  }
0x82: {  	_ =	shalt  }
0x83: {  	_ =	shalt  }
0x84: {  	_ =	shalt  }
0x85: {  	_ =	shalt  }
0x86: {  	_ =	shalt  }
0x87: {  	_ =	shalt  }
.Lfunc_end0:
.L_simem_size_0:
called_computation_lowered:
.L_overlay_start_0:
0x88: {  	s2 =	sld [smem:$0x3FD9]  }
0x89: {  	s3 =	sld [smem:$0x3FFE];
	_ =	sdelay $0x1  }
0x8a: {  	s1 =	srdreg.scid  }
0x8b: {  	s0 =	sand.u32 $0x1, s1  }
0x8c: {  	s17 =	sshll.u32 s0, $0xA;
	s2 =	sadd.s32 s3, s2  }
0x8d: {  	s2 =	sadd.s32 s2, s17  }
0x8e: {  	[smem:$0x3FC7] =	sst s2  }
0x8f: {  	_ = 	snop  }
0x90: {  	s2 =	sld [smem:$0x3FD0];
	(tm) =	ssettm $0x1  }
0x91: {  	s18 =	sld [smem:$0x3FFB];
	_ =	sdelay $0x3  }
0x92: {  	_ =	strace s18  }
0x93: {  	s3 =	sld [smem:$0x3FFC];
	_ =	sdelay $0x3  }
0x94: {  	_ =	strace s3  }
0x95: {  	s3 =	sld [smem:$0x3FFD];
	_ =	sdelay $0x3  }
0x96: {  	_ =	strace s3  }
0x97: {  	_ =	strace $0x8FFFFFFF  }
0x98: {  	s19 =	sld [smem:$0x3FDB];
	_ =	sdelay $0x1  }
0x99: {  	s4 =	simm.s32 $_scs_section_size  }
0x9a: {  	s5 =	simm.s32 $_size__tile_overlayer_lowered;
	s6 =	simm.s32 $_tile_overlayer_lowered  }
0x9b: {  	s22 =	simm.s32 $0x1BFF;
	s21 =	sshll.u32 s6, $0x1;
	s3 =	sadd.s32 s4, s19  }
0x9c: {  	s7 =	simm.s32 $0x0;
	s20 =	sshll.u32 s5, $0x1;
	s5 =	sadd.s32 s21, s3  }
0x9d: {  	[timem:s7], [sflag:s22] =	dma.local [hbm:s5], s20  }
0x9e: {  	_ =	swait.ge [sflag:s22], s20  }
0x9f: {  	s4 =	ssub.s32 $0x0, s20;
	[sflag:s22] =	ssyncset.done $0x0  }
0xa0: {  	[sflag:s22] =	ssyncadd.s32 s4;
	_ =	sdelay $0x1  }
0xa1: {  	s23 =	simm.s32 $0x1B8B  }
0xa2: {  	_ =	swait.ge [sflag:s23], $0x1  }
0xa3: {  	[sflag:s23] =	ssyncset.done $0x0  }
0xa4: {  	s25 =	simm.s32 $0x1B8E;
	s24 =	sld [smem:$0x3FFE];
	[sflag:s23] =	ssyncadd.s32 $0xFFFFFFFF  }
0xa5: {  	s26 =	simm.s32 $execute0_lowered;
	[smem:$0x3FD2] =	sst s25  }
0xa6: {  	s5 =	sshll.u32 s26, $0x1;
	_ =	strace $0x80000046;
	[dreg:$0x1] =	wrdreg $0xFFFFFFFF  }
0xa7: {  	s28 =	simm.s32 $_size_execute0_lowered;
	s3 =	sadd.s32 s3, s5;
	[dreg:$0x0] =	wrdreg $0x0  }
0xa8: {  	s5 =	sshll.u32 s28, $0x1;
	[dreg:$0x2] =	wrdreg s3  }
0xa9: {  	[dreg:$0x3] =	wrdreg s5  }
0xaa: {  	[dreg:$0x4] =	wrdreg $0xC0  }
0xab: {  	_ =	task [dreg:s7], $0x5FFFF  }
0xac: {  	[dreg:$0x1] =	wrdreg $0xFFFFFFFF  }
0xad: {  	[dreg:$0x0] =	wrdreg $0x60  }
0xae: {  	[dreg:$0x2] =	wrdreg s24  }
0xaf: {  	[dreg:$0x3] =	wrdreg s2  }
0xb0: {  	[dreg:$0x4] =	wrdreg $0x9  }
0xb1: {  	_ =	task.clear_ibuf [dreg:s7], $0x5FFFF;
	_ =	strace $0x90000046  }
0xb2: {  	s29 =	simm.s32 $0x9;
	_ =	strace $0x80000048  }
0xb3: {  	_ =	swait.ge [sflag:s29], $0x1  }
0xb4: {  	[sflag:s29] =	ssyncadd.s32 $0xFFFFFFFF  }
0xb5: {  	_ =	strace $0x90000048  }
0xb6: {  	_ =	sfence  }
0xb7: {  	s30 =	sld [smem:$0x0];
	_ =	sdelay $0x2  }
0xb8: {  	s31 =	sshll.u32 s1, $0xD;
	s1 =	sshrl.u32 s1, $0x2  }
0xb9: {  	s3 =	sand.u32 $0x4000, s31;
	s1 =	sadd.s32 s1, s30  }
0xba: {  	s0 =	sor.u32 s3, s0;
	s1 =	sshll.u32 s1, $0x11  }
0xbb: {  	s0 =	sor.u32 s1, s0  }
0xbc: {  	s0 =	sadd.s32 $0x8F2B, s0  }
0xbd: {  	[sflag:s0] =	ssyncadd.remote.s32 $0x1  }
0xbe: {  	_ =	sfence.sel $0xFFFF  }
0xbf: {  	[dreg:$0x0] =	wrdreg $0xFFFFFFFF;
	(pc) =	sbr.abs _section_cstart, $3  }
0xc0: {  	[dreg:$0x1] =	wrdreg $0xFFFFFFFF  }
0xc1: {  	_ =	task.clear_ibuf [dreg:s7], $0x2FFFF;
	_ =	strace $0x9FFFFFFF  }
0xc2: {  	(tm) =	ssettm $0x7FFFFFFF  }
0xc3: {  	_ =	shalt  }
tec
execute0_lowered:
.L_overlay_start_1:
0x0: {  	(tag) =	ssettag $0x1  }
0x1: {  	s4 =	rddreg [dreg:$0x0];
	s1 =	srdreg.scid  }
0x2: {  	s0 =	stileid.u32;
	s5 =	rddreg [dreg:$0x1];
	s2 =	simm.s32 $0x0  }
0x3: {  	s12 =	simm.s32 $0x0;
	s6 =	sand.u32 $0x1, s1;
	s3 =	sshll.u32 s0, $0x1  }
0x4: {  	s1 =	rddreg [dreg:$0x2];
	s11 =	smul.u32 $0xC0, s0;
	s3 =	sor.u32 s6, s3  }
0x5: {  	[smem:$0x7FF] =	sst s2;
	s8 =	ssub.s32 $0x2, s6;
	s7 =	smul.u32 $0x600, s3  }
0x6: {  	_ =	strace $0x80000047;
	s9 =	smul.u32 $0x60, s3;
	s10 =	sshrl.u32 s8, $0x1  }
0x7: {  	v0 =	vlaneseq.u32;
	s31 =	smul.u32 $0x60, s6;
	s3 =	sadd.s32 $0x400, s4;
	s8 =	ssub.s32 s8, s10  }
0x8: {  	v0 =	vmul.u32 $0x18000, v0;
	s10 =	simm.s32 $0x1;
	s7 =	sadd.s32 s7, s4;
	s4 =	sadd.s32 s5, s9  }
0x9: {  	s6 =	smax.u32 s8, $0x1;
	s8 =	simm.s32 $0x2;
	s9 =	simm.s32 $0x80  }
0xa: {  	v1 =	vimm.s32 $0x0;
	v2 =	vadd.s32 $0x180000, v0;
	s5 =	sadd.s32 $0x300400, s7;
	s7 =	sadd.s32 s31, s11;
	s11 =	simm.s32 $0xC380  }
.LBB2_1:
0xb: {  	[tilespmem:s2], [sflag:$0x2] =	stream.linear.gather [hbm4b:s4+s2], $0x300, $0x38;
	[tilespmem:$0xF380] =	vst v63  }
0xc: {  	_ =	swait.ge [sflag:s8], $0x300  }
0xd: {  	[sflag:s8] =	ssyncset.done $0x0  }
0xe: {  	s13 =	simm.s32 $0x0;
	[sflag:s8] =	ssyncadd.s32 $0xFFFFFD00  }
0xf: {  	s14 =	smulhi.u32 $0xAAAAAAAB, s7;
	v8 =	vld [tilespmem:s13+$0x0];
	_ =	sdelay $0x1  }
0x10: {  	s31 =	sshrl.u32 s14, $0x9  }
0x11: {  	s13 =	smul.u32 $0x5FFD00, s31;
	_ =	sdelay $0x1  }
0x12: {  	s13 =	sadd.s32 s13, s7;
	v5 =	vbroadcast v8, $0x0  }
0x13: {  	v4 =	vor.u32 s13, v0;
	v12 =	vbroadcast v8, $0x2;
	v9 =	vbroadcast v8, $0x3  }
0x14: {  	v3 =	vadd.s32 s13, v2;
	v11 =	vbroadcast v8, $0x5;
	v17 =	vbroadcast v8, $0x1  }
0x15: {  	v14 =	vbroadcast v8, $0x4;
	v6 =	vshra.s32 v5, $0x1F;
	v10 =	vshra.s32 v12, $0x1F  }
0x16: {  	vm2 =	vlt.s32 v12, $0x1;
	v13 =	vshra.s32 v9, $0x1F;
	v6 =	vshrl.u32 v6, $0x19  }
0x17: {  	v18 =	vshra.s32 v11, $0x1F;
	v7 =	vand.u32 $0x7F, v11;
	v6 =	vadd.s32 v6, v5  }
0x18: {  	v16 =	vshra.s32 v17, $0x1F;
	vm1 =	vlt.s32 v5, $0x1;
	v6 =	vshra.s32 v6, $0x7  }
0x19: {  	v20 =	vshrl.u32 v10, $0x19;
	v10 =	vand.u32 $0x7F, v14;
	v15 =	vshll.u32 v6, $0x7  }
0x1a: {  	s15 =	simm.s32 $0x20;
	vm0 =	vne.s32 v5, v15;
	v15 =	vshrl.u32 v16, $0x19;
	v16 =	vshrl.u32 v13, $0x19  }
0x1b: {  	s16 =	smov.u32 s7;
	s14 =	simm.s32 $0x400;
	s13 =	simm.s32 $0x400;
	v13 =	vand.u32 $0x7F, v12;
	v19 =	vadd.s32 v15, v17;
	v15 =	vand.u32 $0x7F, v17  }
.LBB2_2:
0x1c: {  	p0 =	sne.s32 s15, $0xBE0;
	v21 =	vand.u32 $0xFFFFFF80, v19;
	v20 =	vadd.s32 v20, v12;
	vm3 =	vlt.s32 v14, $0x1;
	s16 =	sadd.s32 $0x1, s16;
	s14 =	sadd.s32 $0x100, s14  }
0x1d: {  	v22 =	vand.u32 $0x7F, v9;
	v23 =	vshra.s32 v14, $0x1F;
	v18 =	vshrl.u32 v18, $0x19;
	s18 =	smov.u32 s15;
	s15 =	sadd.s32 $0x20, s15;
	s17 =	smulhi.u32 $0xAAAAAAAB, s16  }
0x1e: {  	v19 =	vshrl.u32 v19, $0x7;
	vm4 =	vlt.s32 v17, $0x1;
	v24 =	vbroadcast v8, $0x7  }
0x1f: {  	vm5 =	vne.s32 v17, v21;
	v17 =	vshrl.u32 v23, $0x19;
	v18 =	vadd.s32 v18, v11;
	s17 =	sshrl.u32 s17, $0x9  }
0x20: {  	v21 =	vand.u32 $0xFFFFFF80, v20;
	vm4 =	vmand vm4, vm5;
	vm5 =	vlt.s32 v24, $0x1;
	s17 =	smul.u32 $0x5FFD00, s17  }
0x21: {  	v17 =	vadd.s32 v17, v14;
	v25 =	vshra.s32 v24, $0x1F;
	v23 =	vsel vm4, $0xFFFFFFFF, v1  }
0x22: {  	v16 =	vadd.s32 v16, v9;
	v19 =	vadd.s32 v23, v19;
	v23 =	vshrl.u32 v25, $0x19;
	s17 =	sadd.s32 s17, s16  }
0x23: {  	v26 =	vand.u32 $0xFFFFFF80, v17;
	v25 =	vand.u32 $0xFFFFFF80, v16;
	v19 =	vshll.u32 v19, $0xC  }
0x24: {  	vm4 =	vne.s32 v12, v21;
	v12 =	vadd.s32 v23, v24;
	v15 =	vor.u32 v15, v19  }
0x25: {  	vm2 =	vmand vm2, vm4;
	v19 =	vshrl.u32 v20, $0x7;
	v20 =	vand.u32 $0xFFFFFF80, v12  }
0x26: {  	v21 =	vsel vm2, $0xFFFFFFFF, v1;
	vm2 =	vne.s32 v14, v26;
	vm4 =	vne.s32 v24, v20  }
0x27: {  	v14 =	vmul.u32 $0x300, v15;
	v15 =	vadd.s32 v21, v19;
	vm4 =	vmand vm5, vm4  }
0x28: {  	v19 =	vand.u32 $0xFFFFFF80, v18;
	v20 =	vand.u32 $0x7F, v24;
	v15 =	vshll.u32 v15, $0xC  }
0x29: {  	v12 =	vshrl.u32 v12, $0x7;
	v13 =	vor.u32 v13, v15;
	v15 =	vshrl.u32 v17, $0x7  }
0x2a: {  	v17 =	vadd.s32 v14, v4;
	v21 =	vsel vm4, $0xFFFFFFFF, v1;
	v13 =	vmul.u32 $0x300, v13  }
0x2b: {  	vm5 =	vne.s32 v11, v19;
	vm4 =	vlt.s32 v11, $0x1;
	[tilespmem:s13+$0xFFFFFFA0] =	vst v17;
	v17 =	vshrl.u32 v18, $0x7  }
0x2c: {  	v8 =	vbroadcast v8, $0x6;
	v12 =	vadd.s32 v21, v12;
	v11 =	vadd.s32 v13, v4  }
0x2d: {  	vm6 =	vlt.s32 v9, $0x1;
	vm7 =	vne.s32 v9, v25;
	vm4 =	vmand vm4, vm5;
	[tilespmem:s13+$0xFFFFFFC0] =	vst v11  }
0x2e: {  	v9 =	vshrl.u32 v16, $0x7;
	vm5 =	vmand vm6, vm7;
	v11 =	vsel vm4, $0xFFFFFFFF, v1  }
0x2f: {  	vm2 =	vmand vm3, vm2;
	v16 =	vsel vm5, $0xFFFFFFFF, v1;
	v12 =	vshll.u32 v12, $0xC  }
0x30: {  	v14 =	vadd.s32 v14, v3;
	v9 =	vadd.s32 v16, v9;
	v16 =	vsel vm2, $0xFFFFFFFF, v1  }
0x31: {  	v12 =	vor.u32 v20, v12;
	v9 =	vshll.u32 v9, $0xC;
	v15 =	vadd.s32 v16, v15  }
0x32: {  	v9 =	vor.u32 v22, v9;
	v15 =	vshll.u32 v15, $0xC;
	v11 =	vadd.s32 v11, v17  }
0x33: {  	v9 =	vmul.u32 $0x300, v9;
	v10 =	vor.u32 v10, v15;
	v11 =	vshll.u32 v11, $0xC;
	[tilespmem:s13+$0xFFFFFFB0] =	vst v14  }
0x34: {  	v10 =	vmul.u32 $0x300, v10;
	v7 =	vor.u32 v7, v11;
	v11 =	vshra.s32 v8, $0x1F  }
0x35: {  	v11 =	vshrl.u32 v11, $0x19;
	v14 =	vadd.s32 v9, v4;
	v9 =	vadd.s32 v9, v3  }
0x36: {  	v11 =	vadd.s32 v11, v8;
	[tilespmem:s13+$0xFFFFFFF0] =	vst v9;
	v9 =	vadd.s32 v10, v4;
	v10 =	vadd.s32 v10, v3  }
0x37: {  	v12 =	vmul.u32 $0x300, v12;
	v7 =	vmul.u32 $0x300, v7;
	[tilespmem:s13+$0x0] =	vst v9;
	v9 =	vand.u32 $0xFFFFFF80, v11  }
0x38: {  	v13 =	vadd.s32 v13, v3;
	vm2 =	vlt.s32 v8, $0x1;
	[tilespmem:s13+$0x10] =	vst v10;
	vm3 =	vne.s32 v8, v9  }
0x39: {  	v9 =	vadd.s32 v12, v4;
	v10 =	vadd.s32 v12, v3;
	[tilespmem:s13+$0xFFFFFFE0] =	vst v14;
	vm2 =	vmand vm2, vm3  }
0x3a: {  	v11 =	vshrl.u32 v11, $0x7;
	v12 =	vadd.s32 v7, v4;
	v14 =	vsel vm2, $0xFFFFFFFF, v1;
	[tilespmem:s13+$0x70] =	vst v10  }
0x3b: {  	vm0 =	vmand vm1, vm0;
	v7 =	vadd.s32 v7, v3;
	[tilespmem:s13+$0x20] =	vst v12;
	v10 =	vadd.s32 v14, v11  }
0x3c: {  	v8 =	vand.u32 $0x7F, v8;
	v11 =	vsel vm0, $0xFFFFFFFF, v1;
	v10 =	vshll.u32 v10, $0xC;
	[tilespmem:s13+$0x60] =	vst v9  }
0x3d: {  	v6 =	vadd.s32 v11, v6;
	[tilespmem:s13+$0x30] =	vst v7;
	v7 =	vor.u32 v8, v10  }
0x3e: {  	v5 =	vand.u32 $0x7F, v5;
	s18 =	sshra.s32 s18, $0x2;
	v6 =	vshll.u32 v6, $0xC;
	[tilespmem:s13+$0xFFFFFFD0] =	vst v13;
	v7 =	vmul.u32 $0x300, v7  }
0x3f: {  	v5 =	vor.u32 v5, v6  }
0x40: {  	v5 =	vmul.u32 $0x300, v5;
	v6 =	vadd.s32 v7, v4;
	v7 =	vadd.s32 v7, v3  }
0x41: {  	[tilespmem:s13+$0x40] =	vst v6  }
0x42: {  	v4 =	vadd.s32 v5, v4;
	v3 =	vadd.s32 v5, v3;
	[tilespmem:s13+$0x50] =	vst v7  }
0x43: {  	[tilespmem:s13+$0xFFFFFF80] =	vst v4  }
0x44: {  	[tilespmem:s13+$0xFFFFFF90] =	vst v3;
	s13 =	smov.u32 s14  }
0x45: {  	v8 =	vld [tilespmem:s18+$0x0];
	_ =	sdelay $0x4  }
0x46: {  	v5 =	vbroadcast v8, $0x0;
	v12 =	vbroadcast v8, $0x2  }
0x47: {  	v4 =	vor.u32 s17, v0;
	v3 =	vadd.s32 s17, v2  }
0x48: {  	v9 =	vbroadcast v8, $0x3;
	v6 =	vshra.s32 v5, $0x1F;
	v10 =	vshra.s32 v12, $0x1F  }
0x49: {  	v11 =	vbroadcast v8, $0x5;
	vm2 =	vlt.s32 v12, $0x1;
	v6 =	vshrl.u32 v6, $0x19  }
0x4a: {  	v17 =	vbroadcast v8, $0x1;
	v13 =	vshra.s32 v9, $0x1F;
	v6 =	vadd.s32 v6, v5  }
.Ltmp0:
0x4b: {  	v18 =	vshra.s32 v11, $0x1F;
	v7 =	vand.u32 $0x7F, v11;
	v6 =	vshra.s32 v6, $0x7;
	(pc) =	sbr.rel @p0 .LBB2_2-.Ltmp0, $4  }
0x4c: {  	v14 =	vbroadcast v8, $0x4;
	v16 =	vshra.s32 v17, $0x1F;
	v15 =	vshll.u32 v6, $0x7  }
0x4d: {  	vm0 =	vne.s32 v5, v15;
	v15 =	vshrl.u32 v16, $0x19;
	v16 =	vshrl.u32 v13, $0x19  }
0x4e: {  	vm1 =	vlt.s32 v5, $0x1;
	v13 =	vand.u32 $0x7F, v12;
	v19 =	vadd.s32 v15, v17  }
0x4f: {  	v20 =	vshrl.u32 v10, $0x19;
	v10 =	vand.u32 $0x7F, v14;
	v15 =	vand.u32 $0x7F, v17  }
0x50: {  	v21 =	vand.u32 $0xFFFFFF80, v19  }
0x51: {  	v20 =	vadd.s32 v20, v12;
	vm3 =	vlt.s32 v14, $0x1;
	v22 =	vand.u32 $0x7F, v9  }
0x52: {  	v23 =	vshra.s32 v14, $0x1F;
	v18 =	vshrl.u32 v18, $0x19;
	v61 =	vshrl.u32 v19, $0x7  }
0x53: {  	vm4 =	vlt.s32 v17, $0x1;
	v24 =	vbroadcast v8, $0x7;
	v16 =	vadd.s32 v16, v9  }
0x54: {  	vm11 =	vlt.s32 v11, $0x1;
	v43 =	vbroadcast v8, $0x6;
	vm6 =	vlt.s32 v9, $0x1  }
0x55: {  	vm0 =	vmand vm1, vm0;
	v5 =	vand.u32 $0x7F, v5;
	vm5 =	vne.s32 v17, v21  }
0x56: {  	v62 =	vshrl.u32 v23, $0x19;
	v18 =	vadd.s32 v18, v11;
	v63 =	vand.u32 $0xFFFFFF80, v20  }
0x57: {  	v30 =	vand.u32 $0xFFFFFF80, v16;
	v33 =	vshrl.u32 v20, $0x7;
	v45 =	vshrl.u32 v16, $0x7  }
0x58: {  	v59 =	vsel vm0, $0xFFFFFFFF, v1;
	vm4 =	vmand vm4, vm5;
	vm15 =	vlt.s32 v24, $0x1  }
0x59: {  	v17 =	vadd.s32 v62, v14;
	v25 =	vshra.s32 v24, $0x1F;
	vm8 =	vne.s32 v12, v63  }
0x5a: {  	v37 =	vand.u32 $0xFFFFFF80, v18;
	v38 =	vand.u32 $0x7F, v24;
	v18 =	vshrl.u32 v18, $0x7  }
0x5b: {  	vm7 =	vne.s32 v9, v30;
	v50 =	vshra.s32 v43, $0x1F;
	vm14 =	vlt.s32 v43, $0x1  }
0x5c: {  	v6 =	vadd.s32 v59, v6;
	v28 =	vsel vm4, $0xFFFFFFFF, v1;
	v29 =	vshrl.u32 v25, $0x19  }
0x5d: {  	v26 =	vand.u32 $0xFFFFFF80, v17;
	vm2 =	vmand vm2, vm8;
	v39 =	vshrl.u32 v17, $0x7  }
0x5e: {  	vm12 =	vne.s32 v11, v37;
	vm13 =	vmand vm6, vm7;
	v51 =	vshrl.u32 v50, $0x19  }
0x5f: {  	v6 =	vshll.u32 v6, $0xC;
	v19 =	vadd.s32 v28, v61;
	v32 =	vadd.s32 v29, v24  }
0x60: {  	v35 =	vsel vm2, $0xFFFFFFFF, v1;
	vm9 =	vne.s32 v14, v26;
	v47 =	vsel vm13, $0xFFFFFFFF, v1  }
0x61: {  	v5 =	vor.u32 v5, v6;
	v19 =	vshll.u32 v19, $0xC;
	v34 =	vand.u32 $0xFFFFFF80, v32  }
0x62: {  	v36 =	vadd.s32 v35, v33;
	vm2 =	vmand vm3, vm9;
	v5 =	vmul.u32 $0x300, v5  }
0x63: {  	v31 =	vor.u32 v15, v19;
	vm10 =	vne.s32 v24, v34;
	v14 =	vshll.u32 v36, $0xC  }
0x64: {  	v15 =	vshrl.u32 v32, $0x7;
	v48 =	vsel vm2, $0xFFFFFFFF, v1;
	v12 =	vmul.u32 $0x300, v31  }
0x65: {  	vm4 =	vmand vm15, vm10;
	v13 =	vor.u32 v13, v14;
	v14 =	vadd.s32 v48, v39  }
0x66: {  	v63 =	vadd.s32 v5, v4;
	v13 =	vmul.u32 $0x300, v13;
	v41 =	vsel vm4, $0xFFFFFFFF, v1  }
0x67: {  	vm4 =	vmand vm11, vm12;
	v14 =	vshll.u32 v14, $0xC;
	v40 =	vadd.s32 v12, v4  }
0x68: {  	v44 =	vadd.s32 v41, v15;
	v46 =	vsel vm4, $0xFFFFFFFF, v1;
	v15 =	vadd.s32 v47, v45  }
0x69: {  	v12 =	vadd.s32 v12, v3;
	v10 =	vor.u32 v10, v14;
	v14 =	vadd.s32 v51, v43  }
0x6a: {  	[tilespmem:s13+$0xFFFFFF80] =	vst v63;
	v42 =	vadd.s32 v13, v4;
	v9 =	vshll.u32 v44, $0xC;
	v15 =	vshll.u32 v15, $0xC  }
0x6b: {  	v16 =	vadd.s32 v46, v18;
	[tilespmem:s13+$0xFFFFFFA0] =	vst v40;
	v10 =	vmul.u32 $0x300, v10;
	v54 =	vand.u32 $0xFFFFFF80, v14  }
0x6c: {  	[tilespmem:s13+$0xFFFFFFB0] =	vst v12;
	v56 =	vshrl.u32 v14, $0x7;
	v60 =	vadd.s32 v13, v3;
	v9 =	vor.u32 v38, v9  }
0x6d: {  	v15 =	vor.u32 v22, v15;
	v49 =	vshll.u32 v16, $0xC;
	[tilespmem:s13+$0xFFFFFFC0] =	vst v42;
	vm15 =	vne.s32 v43, v54  }
0x6e: {  	[tilespmem:s13+$0xFFFFFFD0] =	vst v60;
	v15 =	vmul.u32 $0x300, v15;
	v7 =	vor.u32 v7, v49;
	v53 =	vadd.s32 v10, v4  }
0x6f: {  	v9 =	vmul.u32 $0x300, v9;
	v10 =	vadd.s32 v10, v3;
	vm2 =	vmand vm14, vm15;
	[tilespmem:s13+$0x0] =	vst v53  }
0x70: {  	[tilespmem:s13+$0x10] =	vst v10;
	v57 =	vsel vm2, $0xFFFFFFFF, v1;
	v52 =	vadd.s32 v15, v4;
	v15 =	vadd.s32 v15, v3  }
0x71: {  	v8 =	vand.u32 $0x7F, v43;
	v7 =	vmul.u32 $0x300, v7;
	v10 =	vadd.s32 v57, v56;
	[tilespmem:s13+$0xFFFFFFF0] =	vst v15  }
0x72: {  	v55 =	vadd.s32 v9, v4;
	v9 =	vadd.s32 v9, v3;
	[tilespmem:s13+$0xFFFFFFE0] =	vst v52;
	v10 =	vshll.u32 v10, $0xC  }
0x73: {  	[tilespmem:s13+$0x70] =	vst v9;
	v8 =	vor.u32 v8, v10  }
0x74: {  	v58 =	vadd.s32 v7, v4;
	[tilespmem:s13+$0x60] =	vst v55;
	v8 =	vmul.u32 $0x300, v8  }
0x75: {  	v7 =	vadd.s32 v7, v3;
	[tilespmem:s13+$0x20] =	vst v58  }
0x76: {  	[tilespmem:s13+$0x30] =	vst v7;
	v61 =	vadd.s32 v8, v4  }
0x77: {  	v62 =	vadd.s32 v8, v3;
	[tilespmem:s13+$0x40] =	vst v61  }
0x78: {  	v3 =	vadd.s32 v5, v3;
	[tilespmem:s13+$0x50] =	vst v62  }
0x79: {  	s31 =	simm.s32 $0x6380;
	s14 =	simm.s32 $0x380;
	[tilespmem:s13+$0xFFFFFF90] =	vst v3  }
0x7a: {  	[tilespmem:s31], [sflag:$0x1] =	stream.indirect.gather [hbm4b:s3+s9], $0x1, s14, s9, $0xb8;
	[tilespmem:$0xF380] =	vst v63  }
0x7b: {  	s15 =	simm.s32 $0x400;
	s13 =	simm.s32 $0x400;
	s14 =	simm.s32 $0x6400  }
.LBB2_4:
0x7c: {  	[tilespmem:s14], [sflag:$0x1] =	stream.indirect.gather [hbm4b:s3+s9], $0x1, s15, s9, $0xb8;
	[tilespmem:$0xF380] =	vst v63  }
0x7d: {  	s14 =	smov.u32 s13;
	p0 =	sne.s32 s13, $0x17C00  }
.Ltmp1:
0x7e: {  	s13 =	sadd.s32 $0x400, s13;
	(pc) =	sbr.rel @p0 .LBB2_4-.Ltmp1, $4  }
0x7f: {  	s15 =	sshra.s32 s14, $0x2  }
0x80: {  	s14 =	sadd.s32 $0x6380, s15;
	s16 =	sadd.s32 $0x380, s15  }
0x81: {  	[tilespmem:s14], [sflag:$0x1] =	stream.indirect.gather [hbm4b:s3+s9], $0x1, s16, s9, $0xb8;
	[tilespmem:$0xF380] =	vst v63  }
0x82: {  	s14 =	sadd.s32 $0x6400, s15;
	s15 =	sadd.s32 $0x400, s15  }
0x83: {  	[tilespmem:s14], [sflag:$0x1] =	stream.indirect.gather [hbm4b:s3+s9], $0x1, s15, s9, $0xb8;
	[tilespmem:$0xF380] =	vst v63  }
0x84: {  	_ =	swait.ge [sflag:s10], $0x6000  }
0x85: {  	[sflag:s10] =	ssyncset.done $0x0  }
0x86: {  	s14 =	simm.s32 $0x6400;
	[sflag:s10] =	ssyncadd.s32 $0xFFFFA000  }
0x87: {  	v3 =	vld [tilespmem:s14+$0xFFFFFF80]  }
0x88: {  	v4 =	vld [tilespmem:s14+$0xFFFFFF90]  }
0x89: {  	v5 =	vld [tilespmem:s14+$0xFFFFFFA0]  }
0x8a: {  	v6 =	vld [tilespmem:s14+$0xFFFFFFB0]  }
0x8b: {  	v7 =	vld [tilespmem:s14+$0xFFFFFFC0]  }
0x8c: {  	v8 =	vld [tilespmem:s14+$0xFFFFFFD0];
	(xrf1) =	vsort.dscd.msk.f32 $0xffff, v3, v3  }
0x8d: {  	v9 =	vld [tilespmem:s14+$0xFFFFFFE0];
	(xrf1) =	vsort.ascd.msk.f32 $0xffff, v4, v4  }
0x8e: {  	v10 =	vld [tilespmem:s14+$0xFFFFFFF0];
	(xrf1) =	vsort.dscd.msk.f32 $0xffff, v5, v5  }
0x8f: {  	v11 =	vld [tilespmem:s14+$0x0];
	(xrf1) =	vsort.ascd.msk.f32 $0xffff, v6, v6  }
0x90: {  	v12 =	vld [tilespmem:s14+$0x10];
	(xrf1) =	vsort.dscd.msk.f32 $0xffff, v7, v7  }
0x91: {  	v13 =	vld [tilespmem:s14+$0x20];
	(xrf1) =	vsort.ascd.msk.f32 $0xffff, v8, v8  }
0x92: {  	v3 =	vld [tilespmem:s14+$0x30];
	(xrf1) =	vsort.dscd.msk.f32 $0xffff, v9, v9  }
0x93: {  	v4 =	vld [tilespmem:s14+$0x40];
	(xrf1) =	vsort.ascd.msk.f32 $0xffff, v10, v10  }
0x94: {  	v5 =	vld [tilespmem:s14+$0x50];
	(xrf1) =	vsort.dscd.msk.f32 $0xffff, v11, v11  }
0x95: {  	v6 =	vld [tilespmem:s14+$0x60];
	(xrf1) =	vsort.ascd.msk.f32 $0xffff, v12, v12  }
0x96: {  	s13 =	simm.s32 $0x0;
	s15 =	simm.s32 $0x200;
	v7 =	vld [tilespmem:s14+$0x70];
	(xrf1) =	vsort.dscd.msk.f32 $0xffff, v13, v13  }
.LBB2_6:
0x97: {  	p0 =	sne.s32 s15, $0xBE00;
	(xrf1) =	vsort.ascd.msk.f32 $0xffff, v3, v3  }
0x98: {  	(xrf1) =	vsort.dscd.msk.f32 $0xffff, v4, v4  }
0x99: {  	(xrf1) =	vsort.ascd.msk.f32 $0xffff, v5, v5  }
0x9a: {  	v3, _, _ =	vpop (xrf1);
	(xrf1) =	vsort.dscd.msk.f32 $0xffff, v6, v6  }
0x9b: {  	v4, _, _ =	vpop (xrf1);
	(xrf1) =	vsort.ascd.msk.f32 $0xffff, v7, v7  }
0x9c: {  	v5, _, _ =	vpop (xrf1)  }
0x9d: {  	v6, _, _ =	vpop (xrf1)  }
0x9e: {  	v7, _, _ =	vpop (xrf1)  }
0x9f: {  	v8, _, _ =	vpop (xrf1)  }
0xa0: {  	v9, _, _ =	vpop (xrf1)  }
0xa1: {  	v10, _, _ =	vpop (xrf1)  }
0xa2: {  	v11, _, _ =	vpop (xrf1)  }
0xa3: {  	v3 =	vmax.f32 v3, v4;
	v4, _, _ =	vpop (xrf1)  }
0xa4: {  	v5 =	vmax.f32 v5, v6;
	v6, _, _ =	vpop (xrf1);
	(xrf1) =	vsort.dscd.msk.f32 $0xffff, v3, v3  }
0xa5: {  	v3 =	vmax.f32 v7, v8;
	v7, _, _ =	vpop (xrf1);
	(xrf1) =	vsort.ascd.msk.f32 $0xffff, v5, v5  }
0xa6: {  	v5 =	vmax.f32 v9, v10;
	v8, _, _ =	vpop (xrf1);
	(xrf1) =	vsort.dscd.msk.f32 $0xffff, v3, v3  }
0xa7: {  	v3 =	vmax.f32 v11, v4;
	v4, _, _ =	vpop (xrf1);
	(xrf1) =	vsort.ascd.msk.f32 $0xffff, v5, v5  }
0xa8: {  	v5 =	vmax.f32 v6, v7;
	v6, _, _ =	vpop (xrf1);
	(xrf1) =	vsort.dscd.msk.f32 $0xffff, v3, v3  }
0xa9: {  	v3 =	vmax.f32 v8, v4;
	v4, _, _ =	vpop (xrf1);
	(xrf1) =	vsort.ascd.msk.f32 $0xffff, v5, v5  }
0xaa: {  	v4 =	vmax.f32 v6, v4;
	(xrf1) =	vsort.dscd.msk.f32 $0xffff, v3, v3  }
0xab: {  	(xrf1) =	vsort.ascd.msk.f32 $0xffff, v4, v4;
	_ =	sdelay $0x6  }
0xac: {  	v3, _, _ =	vpop (xrf1)  }
0xad: {  	v4, _, _ =	vpop (xrf1)  }
0xae: {  	v5, _, _ =	vpop (xrf1)  }
0xaf: {  	v6, _, _ =	vpop (xrf1)  }
0xb0: {  	v7, _, _ =	vpop (xrf1)  }
0xb1: {  	v3 =	vmax.f32 v3, v4;
	v4, _, _ =	vpop (xrf1)  }
0xb2: {  	v5 =	vmax.f32 v5, v6;
	v6, _, _ =	vpop (xrf1);
	(xrf1) =	vsort.dscd.msk.f32 $0xffff, v3, v3  }
0xb3: {  	v3 =	vmax.f32 v7, v4;
	v4, _, _ =	vpop (xrf1);
	(xrf1) =	vsort.ascd.msk.f32 $0xffff, v5, v5  }
0xb4: {  	v4 =	vmax.f32 v6, v4;
	(xrf1) =	vsort.dscd.msk.f32 $0xffff, v3, v3  }
0xb5: {  	(xrf1) =	vsort.ascd.msk.f32 $0xffff, v4, v4;
	_ =	sdelay $0xa  }
0xb6: {  	v3, _, _ =	vpop (xrf1)  }
0xb7: {  	v4, _, _ =	vpop (xrf1)  }
0xb8: {  	v5, _, _ =	vpop (xrf1)  }
0xb9: {  	v3 =	vmax.f32 v3, v4;
	v4, _, _ =	vpop (xrf1)  }
0xba: {  	v4 =	vmax.f32 v5, v4;
	(xrf1) =	vsort.dscd.msk.f32 $0xffff, v3, v3  }
0xbb: {  	(xrf1) =	vsort.ascd.msk.f32 $0xffff, v4, v4;
	_ =	sdelay $0xc  }
0xbc: {  	v3, _, _ =	vpop (xrf1)  }
0xbd: {  	v4, _, _ =	vpop (xrf1)  }
0xbe: {  	v3 =	vmax.f32 v3, v4  }
0xbf: {  	(xrf1) =	vsort.dscd.msk.f32 $0xffff, v3, v3;
	_ =	sdelay $0xd  }
0xc0: {  	s16 =	sshra.s32 s13, $0x2;
	s13 =	smov.u32 s15;
	v3, _, _ =	vpop (xrf1)  }
0xc1: {  	s14 =	sadd.s32 $0x100, s14;
	[tilespmem:s16+$0xC380] =	vst v3  }
0xc2: {  	v3 =	vld [tilespmem:s14+$0xFFFFFF80]  }
0xc3: {  	v4 =	vld [tilespmem:s14+$0xFFFFFF90]  }
0xc4: {  	v5 =	vld [tilespmem:s14+$0xFFFFFFA0]  }
0xc5: {  	v6 =	vld [tilespmem:s14+$0xFFFFFFB0]  }
0xc6: {  	v7 =	vld [tilespmem:s14+$0xFFFFFFC0]  }
0xc7: {  	v8 =	vld [tilespmem:s14+$0xFFFFFFD0];
	(xrf1) =	vsort.dscd.msk.f32 $0xffff, v3, v3  }
0xc8: {  	v9 =	vld [tilespmem:s14+$0xFFFFFFE0];
	(xrf1) =	vsort.ascd.msk.f32 $0xffff, v4, v4  }
0xc9: {  	v10 =	vld [tilespmem:s14+$0xFFFFFFF0];
	(xrf1) =	vsort.dscd.msk.f32 $0xffff, v5, v5  }
0xca: {  	v11 =	vld [tilespmem:s14+$0x0];
	(xrf1) =	vsort.ascd.msk.f32 $0xffff, v6, v6  }
0xcb: {  	v12 =	vld [tilespmem:s14+$0x10];
	(xrf1) =	vsort.dscd.msk.f32 $0xffff, v7, v7  }
0xcc: {  	v13 =	vld [tilespmem:s14+$0x20];
	(xrf1) =	vsort.ascd.msk.f32 $0xffff, v8, v8  }
.Ltmp2:
0xcd: {  	v3 =	vld [tilespmem:s14+$0x30];
	(xrf1) =	vsort.dscd.msk.f32 $0xffff, v9, v9;
	(pc) =	sbr.rel @p0 .LBB2_6-.Ltmp2, $4  }
0xce: {  	v4 =	vld [tilespmem:s14+$0x40];
	(xrf1) =	vsort.ascd.msk.f32 $0xffff, v10, v10  }
0xcf: {  	v5 =	vld [tilespmem:s14+$0x50];
	(xrf1) =	vsort.dscd.msk.f32 $0xffff, v11, v11  }
0xd0: {  	v6 =	vld [tilespmem:s14+$0x60];
	(xrf1) =	vsort.ascd.msk.f32 $0xffff, v12, v12  }
0xd1: {  	s15 =	sadd.s32 $0x200, s15;
	v7 =	vld [tilespmem:s14+$0x70];
	(xrf1) =	vsort.dscd.msk.f32 $0xffff, v13, v13  }
0xd2: {  	(xrf1) =	vsort.ascd.msk.f32 $0xffff, v3, v3  }
0xd3: {  	(xrf1) =	vsort.dscd.msk.f32 $0xffff, v4, v4  }
0xd4: {  	(xrf1) =	vsort.ascd.msk.f32 $0xffff, v5, v5  }
0xd5: {  	v3, _, _ =	vpop (xrf1);
	(xrf1) =	vsort.dscd.msk.f32 $0xffff, v6, v6  }
0xd6: {  	v41, _, _ =	vpop (xrf1);
	(xrf1) =	vsort.ascd.msk.f32 $0xffff, v7, v7  }
0xd7: {  	v42, _, _ =	vpop (xrf1)  }
0xd8: {  	v43, _, _ =	vpop (xrf1)  }
0xd9: {  	v44, _, _ =	vpop (xrf1)  }
0xda: {  	v8, _, _ =	vpop (xrf1)  }
0xdb: {  	v9, _, _ =	vpop (xrf1)  }
0xdc: {  	v10, _, _ =	vpop (xrf1)  }
0xdd: {  	v11, _, _ =	vpop (xrf1)  }
0xde: {  	v3 =	vmax.f32 v3, v41;
	v45, _, _ =	vpop (xrf1)  }
0xdf: {  	(xrf1) =	vsort.dscd.msk.f32 $0xffff, v3, v3;
	v5 =	vmax.f32 v42, v43;
	v46, _, _ =	vpop (xrf1)  }
0xe0: {  	(xrf1) =	vsort.ascd.msk.f32 $0xffff, v5, v5;
	v3 =	vmax.f32 v44, v8;
	v47, _, _ =	vpop (xrf1)  }
0xe1: {  	(xrf1) =	vsort.dscd.msk.f32 $0xffff, v3, v3;
	v48 =	vmax.f32 v9, v10;
	v49, _, _ =	vpop (xrf1)  }
0xe2: {  	(xrf1) =	vsort.ascd.msk.f32 $0xffff, v48, v48;
	v3 =	vmax.f32 v11, v45;
	v50, _, _ =	vpop (xrf1)  }
0xe3: {  	v51 =	vmax.f32 v46, v47;
	v52, _, _ =	vpop (xrf1);
	(xrf1) =	vsort.dscd.msk.f32 $0xffff, v3, v3  }
0xe4: {  	v3 =	vmax.f32 v49, v50;
	v53, _, _ =	vpop (xrf1);
	(xrf1) =	vsort.ascd.msk.f32 $0xffff, v51, v51  }
0xe5: {  	v4 =	vmax.f32 v52, v53;
	(xrf1) =	vsort.dscd.msk.f32 $0xffff, v3, v3  }
0xe6: {  	(xrf1) =	vsort.ascd.msk.f32 $0xffff, v4, v4;
	_ =	sdelay $0x6  }
0xe7: {  	v3, _, _ =	vpop (xrf1)  }
0xe8: {  	v54, _, _ =	vpop (xrf1)  }
0xe9: {  	v55, _, _ =	vpop (xrf1)  }
0xea: {  	v56, _, _ =	vpop (xrf1)  }
0xeb: {  	v57, _, _ =	vpop (xrf1)  }
0xec: {  	v3 =	vmax.f32 v3, v54;
	v58, _, _ =	vpop (xrf1)  }
0xed: {  	v5 =	vmax.f32 v55, v56;
	(xrf1) =	vsort.dscd.msk.f32 $0xffff, v3, v3;
	v59, _, _ =	vpop (xrf1)  }
0xee: {  	(xrf1) =	vsort.ascd.msk.f32 $0xffff, v5, v5;
	v3 =	vmax.f32 v57, v58;
	v60, _, _ =	vpop (xrf1)  }
0xef: {  	(xrf1) =	vsort.dscd.msk.f32 $0xffff, v3, v3;
	v4 =	vmax.f32 v59, v60  }
0xf0: {  	(xrf1) =	vsort.ascd.msk.f32 $0xffff, v4, v4;
	_ =	sdelay $0xa  }
0xf1: {  	v3, _, _ =	vpop (xrf1)  }
0xf2: {  	v61, _, _ =	vpop (xrf1)  }
0xf3: {  	v62, _, _ =	vpop (xrf1)  }
0xf4: {  	v3 =	vmax.f32 v3, v61;
	v63, _, _ =	vpop (xrf1)  }
0xf5: {  	(xrf1) =	vsort.dscd.msk.f32 $0xffff, v3, v3;
	v4 =	vmax.f32 v62, v63  }
0xf6: {  	(xrf1) =	vsort.ascd.msk.f32 $0xffff, v4, v4;
	_ =	sdelay $0xc  }
0xf7: {  	v3, _, _ =	vpop (xrf1)  }
0xf8: {  	v4, _, _ =	vpop (xrf1)  }
0xf9: {  	v3 =	vmax.f32 v3, v4  }
0xfa: {  	(xrf1) =	vsort.dscd.msk.f32 $0xffff, v3, v3;
	_ =	sdelay $0xc  }
0xfb: {  	s12 =	sadd.s32 $0x1, s12  }
0xfc: {  	s13 =	sshra.s32 s13, $0x2;
	p0 =	sne.s32 s12, s6;
	v3, _, _ =	vpop (xrf1)  }
.Ltmp3:
0xfd: {  	[tilespmem:s13+$0xC380] =	vst v3;
	(pc) =	sbr.rel @p0 .LBB2_1-.Ltmp3, $4  }
0xfe: {  	[hbm4b:s5+s2] =	stream.linear.scatter [tilespmem:s11], [sflag:$0x2], $0x3000, $0x38;
	[tilespmem:$0xF380] =	vst v63  }
0xff: {  	_ =	swait.ge [sflag:s8], $0x3000  }
0x100: {  	[sflag:s8] =	ssyncset.done $0x0  }
0x101: {  	[sflag:s8] =	ssyncadd.s32 $0xFFFFD000  }
0x102: {  	_ =	sfence.sel $0x180000  }
0x103: {  	[bflag:$0x0] =	sbarrier.arrive $0xFFFF  }
0x104: {  	p0 =	sne.s32 s0, $0x0;
	_ =	strace $0x90000047  }
0x105: {  	s0 =	sadd.s32 @!p0 $0x100000, s1;
	[bflag:$0x2] =	sbarrier.arrive $0xFFFF  }
0x106: {  	[sflag:s0] =	ssyncadd.tile.s32 @!p0 $0x1;
	_ =	shalt  }
.Lfunc_end2:
_tile_overlayer_lowered:
.L_overlay_start_2:
0x107: {  	(tag) =	ssettag $0x2  }
0x108: {  	s0 =	rddreg [dreg:$0x0];
	s2 =	stileid.u32  }
0x109: {  	s1 =	rddreg [dreg:$0x1];
	p0 =	sne.s32 s2, $0x0  }
0x10a: {  	s3 =	rddreg [dreg:$0x2];
	[bflag:$0x3] =	sbarrier.arrive $0xFFFF;
	s2 =	simm.s32 @!p0 $0x1C02  }
0x10b: {  	[timem:s3], [sflag:s2] =	dma.local @!p0 [hbm:s0], s1  }
0x10c: {  	s0 =	simm.s32 @!p0 $0x2  }
0x10d: {  	_ =	swait.ge @!p0 [sflag:s0], s1  }
0x10e: {  	s1 =	ssub.s32 @!p0 $0x0, s1;
	[sflag:s0] =	ssyncset.done @!p0 $0x0  }
0x10f: {  	[sflag:s0] =	ssyncadd.s32 @!p0 s1  }
0x110: {  	[bflag:$0x3] =	sbarrier.arrive $0xFFFF  }
0x111: {  	_ =	shalt  }

</sc_bundles>
